<compile_context>
chip_gen: v7x
topology: tpu7x:2x2x1
jax: 0.10.2.dev20260603
libtpu: 0.0.44.dev20260713+nightly
codegen_flags: <defaults>
</compile_context>

<pallas_src>
import functools

import jax
import jax.numpy as jnp
import numpy as np
from jax import lax
from jax.experimental import pallas as pl
from jax.experimental.pallas import tpu as pltpu
from jax.experimental.pallas import tpu_sc as plsc

B, S, D, H, L, E, FF = 1, 2048, 1024, 16, 3, 8, 4096
DH = D // H
EPS = 1e-5
CAP = int(1.25 * (B * S) / E)

SB = 256
NSB = S // SB
QB = 2048
NQB = S // QB
FB = 1024
NFB = FF // FB



def _ln_qkv_body(x_ref, w_ref, b_ref, wq_ref, bq_ref, wk_ref, bk_ref,
                 wv_ref, bv_ref, q_ref, k0_ref, v0_ref, k1_ref, v1_ref,
                 k2_ref, v2_ref):
    x = x_ref[...]
    mu = jnp.mean(x, axis=-1, keepdims=True)
    xc = x - mu
    var = jnp.mean(xc * xc, axis=-1, keepdims=True)
    ln = xc / jnp.sqrt(var + EPS) * w_ref[...] + b_ref[...]
    q_ref[...] = (ln @ wq_ref[...] + bq_ref[...]) * (1.0 / np.sqrt(DH))
    k0 = ln @ wk_ref[...] + bk_ref[...]
    v0 = ln @ wv_ref[...] + bv_ref[...]
    k0_ref[...] = k0
    v0_ref[...] = v0
    r1 = jax.lax.broadcasted_iota(jnp.int32, (SB // 2, SB), 0)
    c1 = jax.lax.broadcasted_iota(jnp.int32, (SB // 2, SB), 1)
    p1 = jnp.where(r1 == c1 // 2, 0.5, 0.0)
    k1_ref[...] = p1 @ k0
    v1_ref[...] = p1 @ v0
    r2 = jax.lax.broadcasted_iota(jnp.int32, (SB // 4, SB), 0)
    c2 = jax.lax.broadcasted_iota(jnp.int32, (SB // 4, SB), 1)
    p2 = jnp.where(r2 == c2 // 4, 0.25, 0.0)
    k2_ref[...] = p2 @ k0
    v2_ref[...] = p2 @ v0


def _attn_body(lw_ref, q_ref, k0_ref, v0_ref, k1_ref, v1_ref, k2_ref, v2_ref,
               o_ref):
    lane = jax.lax.broadcasted_iota(jnp.int32, (1, 128), 1)
    lwm = jnp.where(lane < L, lw_ref[...], -jnp.inf)
    m = jnp.max(lwm)
    ex = jnp.where(lane < L, jnp.exp(lwm - m), 0.0)
    den = jnp.sum(ex)
    lw0 = jnp.sum(jnp.where(lane == 0, ex, 0.0)) / den
    lw1 = jnp.sum(jnp.where(lane == 1, ex, 0.0)) / den
    lw2 = jnp.sum(jnp.where(lane == 2, ex, 0.0)) / den

    q2 = q_ref[...]

    def att2(k_ref, v_ref):
        k2 = k_ref[...]
        v2 = v_ref[...]
        parts = []
        for half in (0, 1):
            q = q2[:, half * DH:(half + 1) * DH]
            k = k2[:, half * DH:(half + 1) * DH]
            v = v2[:, half * DH:(half + 1) * DH]
            s = jax.lax.dot_general(q, k, (((1,), (1,)), ((), ())))
            p = jnp.exp(s)
            p = p * (1.0 / jnp.sum(p, axis=-1, keepdims=True))
            parts.append(p @ v)
        return jnp.concatenate(parts, axis=1)

    o = (lw0 * att2(k0_ref, v0_ref)
         + lw1 * att2(k1_ref, v1_ref)
         + lw2 * att2(k2_ref, v2_ref))
    o_ref[...] = o


def _proj_body(a_ref, x_ref, wo_ref, bo_ref, w2_ref, b2_ref, wr_ref,
               hs_ref, ln2_ref, flat_ref, flat2_ref, scale_ref, cnt_ref):
    i = pl.program_id(0)

    @pl.when(i == 0)
    def _():
        cnt_ref[...] = jnp.zeros_like(cnt_ref)

    hs = a_ref[...] @ wo_ref[...] + bo_ref[...] + x_ref[...]
    hs_ref[...] = hs
    mu = jnp.mean(hs, axis=-1, keepdims=True)
    xc = hs - mu
    var = jnp.mean(xc * xc, axis=-1, keepdims=True)
    ln = xc / jnp.sqrt(var + EPS) * w2_ref[...] + b2_ref[...]
    ln2_ref[...] = ln
    lgf = ln @ wr_ref[...]

    lane = jax.lax.broadcasted_iota(jnp.int32, (SB, 128), 1)
    lg = jnp.where(lane < E, lgf, -jnp.inf)
    m = jnp.max(lg, axis=-1, keepdims=True)
    ex = jnp.where(lane < E, jnp.exp(lg - m), 0.0)
    gate = 1.0 / jnp.sum(ex, axis=-1)
    eidx = jnp.min(jnp.where(lg == m, lane, 127), axis=-1)
    onehot = (lane == eidx[:, None]).astype(jnp.float32)
    ri = jax.lax.broadcasted_iota(jnp.int32, (SB, SB), 0)
    ci = jax.lax.broadcasted_iota(jnp.int32, (SB, SB), 1)
    tril = jnp.where(ci <= ri, 1.0, 0.0)
    csum = tril @ onehot
    pos = jnp.sum((csum + cnt_ref[...] - 1.0) * onehot, axis=-1)
    cnt_ref[...] = cnt_ref[...] + jnp.sum(onehot, axis=0, keepdims=True)
    keep = pos < CAP
    flat = eidx.astype(jnp.float32) * CAP + pos
    flat_ref[0, 0, :] = jnp.where(keep, flat, float(E * CAP)).astype(jnp.int32)
    flat2_ref[0, 0, :] = jnp.where(keep, flat, 0.0).astype(jnp.int32)
    scale_ref[0, 0, :] = jnp.where(keep, gate, 0.0)


NC = 2
NS = 16
NW = NC * NS
RPW1 = (E * CAP) // NW
RPW2 = S // NW


def _sc_disp_body(flat_hbm, ln2_hbm, buf_hbm, flat_v, idx_v, rows_v, sem):
    wid = lax.axis_index("s") * NC + lax.axis_index("c")
    base = wid * RPW2
    pltpu.sync_copy(flat_hbm, flat_v)

    def fill1(i, carry):
        idx_v[pl.ds(i * 16, 16)] = flat_v[pl.ds(base + i * 16, 16)]
        return carry

    lax.fori_loop(0, RPW2 // 16, fill1, 0)
    pltpu.sync_copy(ln2_hbm.at[pl.ds(base, RPW2)], rows_v)
    pltpu.async_copy(rows_v, buf_hbm.at[idx_v], sem).wait()


def _sc_comb_body(flat2_hbm, eo_hbm, geo_hbm, f2_v, idx_v, rows_v, sem):
    wid = lax.axis_index("s") * NC + lax.axis_index("c")
    base = wid * RPW2
    pltpu.sync_copy(flat2_hbm, f2_v)

    def fill2(i, carry):
        idx_v[pl.ds(i * 16, 16)] = f2_v[pl.ds(base + i * 16, 16)]
        return carry

    lax.fori_loop(0, RPW2 // 16, fill2, 0)
    pltpu.async_copy(eo_hbm.at[idx_v], rows_v, sem).wait()
    pltpu.sync_copy(rows_v, geo_hbm.at[pl.ds(base, RPW2)])


def _final_body(scale_ref, geo_ref, hs_ref, out_ref):
    sc = scale_ref[0, 0, :]
    out_ref[...] = hs_ref[...] + geo_ref[...] * sc[:, None]


def _ffn_body(buf_ref, w1_ref, b1_ref, w2_ref, b2_ref, eo_ref):
    f = pl.program_id(1)
    buf = buf_ref[0]
    HB = FB // 2
    part = None
    for c in range(2):
        h = jax.nn.gelu(buf @ w1_ref[0, :, c * HB:(c + 1) * HB]
                        + b1_ref[0, :, c * HB:(c + 1) * HB])
        pc = h @ w2_ref[0, c * HB:(c + 1) * HB, :]
        part = pc if part is None else part + pc

    @pl.when(f == 0)
    def _():
        eo_ref[0] = part + b2_ref[0]

    @pl.when(f > 0)
    def _():
        eo_ref[0] = eo_ref[0] + part


def kernel(hidden_states, ln1_w, ln1_b, ln2_w, ln2_b, Wq, bq, Wk, bk, Wv, bv,
           Wo, bo, level_w, Wr, W1, b1, W2, b2):
    f32 = jnp.float32
    x = hidden_states.reshape(S, D)
    r2 = lambda a: a.reshape(1, D)

    q, k0, v0, k1, v1, k2, v2 = pl.pallas_call(
        _ln_qkv_body,
        grid=(NSB,),
        in_specs=[
            pl.BlockSpec((SB, D), lambda i: (i, 0)),
            pl.BlockSpec((1, D), lambda i: (0, 0)),
            pl.BlockSpec((1, D), lambda i: (0, 0)),
            pl.BlockSpec((D, D), lambda i: (0, 0)),
            pl.BlockSpec((1, D), lambda i: (0, 0)),
            pl.BlockSpec((D, D), lambda i: (0, 0)),
            pl.BlockSpec((1, D), lambda i: (0, 0)),
            pl.BlockSpec((D, D), lambda i: (0, 0)),
            pl.BlockSpec((1, D), lambda i: (0, 0)),
        ],
        out_specs=[
            pl.BlockSpec((SB, D), lambda i: (i, 0)),
            pl.BlockSpec((SB, D), lambda i: (i, 0)),
            pl.BlockSpec((SB, D), lambda i: (i, 0)),
            pl.BlockSpec((SB // 2, D), lambda i: (i, 0)),
            pl.BlockSpec((SB // 2, D), lambda i: (i, 0)),
            pl.BlockSpec((SB // 4, D), lambda i: (i, 0)),
            pl.BlockSpec((SB // 4, D), lambda i: (i, 0)),
        ],
        out_shape=[
            jax.ShapeDtypeStruct((S, D), f32),
            jax.ShapeDtypeStruct((S, D), f32),
            jax.ShapeDtypeStruct((S, D), f32),
            jax.ShapeDtypeStruct((S // 2, D), f32),
            jax.ShapeDtypeStruct((S // 2, D), f32),
            jax.ShapeDtypeStruct((S // 4, D), f32),
            jax.ShapeDtypeStruct((S // 4, D), f32),
        ],
    )(x, r2(ln1_w), r2(ln1_b), Wq, r2(bq), Wk, r2(bk), Wv, r2(bv))

    lw_pad = jnp.zeros((1, 128), f32).at[0, :L].set(level_w)

    kv_spec = lambda sl: pl.BlockSpec((sl, 128), lambda hp, qb: (0, hp))
    attn_flat = pl.pallas_call(
        _attn_body,
        grid=(H // 2, NQB),
        in_specs=[
            pl.BlockSpec((1, 128), lambda hp, qb: (0, 0)),
            pl.BlockSpec((QB, 128), lambda hp, qb: (qb, hp)),
            kv_spec(S), kv_spec(S),
            kv_spec(S // 2), kv_spec(S // 2),
            kv_spec(S // 4), kv_spec(S // 4),
        ],
        out_specs=pl.BlockSpec((QB, 128), lambda hp, qb: (qb, hp)),
        out_shape=jax.ShapeDtypeStruct((S, D), f32),
    )(lw_pad, q, k0, v0, k1, v1, k2, v2)

    wr_pad = jnp.zeros((D, 128), f32).at[:, :E].set(Wr)
    hs, ln2a, flat3, flat23, scale3 = pl.pallas_call(
        _proj_body,
        grid=(NSB,),
        in_specs=[
            pl.BlockSpec((SB, D), lambda i: (i, 0)),
            pl.BlockSpec((SB, D), lambda i: (i, 0)),
            pl.BlockSpec((D, D), lambda i: (0, 0)),
            pl.BlockSpec((1, D), lambda i: (0, 0)),
            pl.BlockSpec((1, D), lambda i: (0, 0)),
            pl.BlockSpec((1, D), lambda i: (0, 0)),
            pl.BlockSpec((D, 128), lambda i: (0, 0)),
        ],
        out_specs=[
            pl.BlockSpec((SB, D), lambda i: (i, 0)),
            pl.BlockSpec((SB, D), lambda i: (i, 0)),
            pl.BlockSpec((1, 1, SB), lambda i: (i, 0, 0)),
            pl.BlockSpec((1, 1, SB), lambda i: (i, 0, 0)),
            pl.BlockSpec((1, 1, SB), lambda i: (i, 0, 0)),
        ],
        out_shape=[
            jax.ShapeDtypeStruct((S, D), f32),
            jax.ShapeDtypeStruct((S, D), f32),
            jax.ShapeDtypeStruct((NSB, 1, SB), jnp.int32),
            jax.ShapeDtypeStruct((NSB, 1, SB), jnp.int32),
            jax.ShapeDtypeStruct((NSB, 1, SB), f32),
        ],
        scratch_shapes=[pltpu.VMEM((1, 128), f32)],
    )(attn_flat, x, Wo, r2(bo), r2(ln2_w), r2(ln2_b), wr_pad)

    mesh = plsc.VectorSubcoreMesh(core_axis_name="c", subcore_axis_name="s")
    bufx = functools.partial(
        pl.kernel,
        mesh=mesh,
        out_type=jax.ShapeDtypeStruct((E * CAP + 8, D), f32),
        scratch_types=[
            pltpu.VMEM((S,), jnp.int32),
            pltpu.VMEM((RPW2,), jnp.int32),
            pltpu.VMEM((RPW2, D), f32),
            pltpu.SemaphoreType.DMA,
        ],
    )(_sc_disp_body)(flat3.reshape(S), ln2a)
    buf = bufx[:E * CAP]

    eo = pl.pallas_call(
        _ffn_body,
        grid=(E, NFB),
        in_specs=[
            pl.BlockSpec((1, CAP, D), lambda e, f: (e, 0, 0)),
            pl.BlockSpec((1, D, FB), lambda e, f: (e, 0, f)),
            pl.BlockSpec((1, 1, FB), lambda e, f: (e, 0, f)),
            pl.BlockSpec((1, FB, D), lambda e, f: (e, f, 0)),
            pl.BlockSpec((1, 1, D), lambda e, f: (e, 0, 0)),
        ],
        out_specs=pl.BlockSpec((1, CAP, D), lambda e, f: (e, 0, 0)),
        out_shape=jax.ShapeDtypeStruct((E, CAP, D), f32),
    )(buf.reshape(E, CAP, D), W1, b1.reshape(E, 1, FF), W2,
      b2.reshape(E, 1, D))
    del buf

    geo = functools.partial(
        pl.kernel,
        mesh=mesh,
        out_type=jax.ShapeDtypeStruct((S, D), f32),
        scratch_types=[
            pltpu.VMEM((S,), jnp.int32),
            pltpu.VMEM((RPW2,), jnp.int32),
            pltpu.VMEM((RPW2, D), f32),
            pltpu.SemaphoreType.DMA,
        ],
    )(_sc_comb_body)(flat23.reshape(S), eo.reshape(E * CAP, D))

    out = pl.pallas_call(
        _final_body,
        grid=(NSB,),
        in_specs=[
            pl.BlockSpec((1, 1, SB), lambda i: (i, 0, 0)),
            pl.BlockSpec((SB, D), lambda i: (i, 0)),
            pl.BlockSpec((SB, D), lambda i: (i, 0)),
        ],
        out_specs=pl.BlockSpec((SB, D), lambda i: (i, 0)),
        out_shape=jax.ShapeDtypeStruct((S, D), f32),
    )(scale3, geo, hs)

    return out.reshape(B, S, D)

# --- scband reference (transcript-rebuilt; emitter-appended) ---
"""Pipeline reference for scband-mo-emlablock-14207751815645 (READ-ONLY COPY).

The authoritative reference and input builder live on the scoring server;
editing this copy changes nothing except your own understanding.
"""

import jax, jax.numpy as jnp
import numpy as np

B, S, D, H, L, E, FF = 1, 2048, 1024, 16, 3, 8, 4096
EPS = 1e-5
CAP = int(1.25 * (B * S) / E)


def setup_inputs(seed: int = 0) -> dict:
    key = jax.random.key(seed)
    ks = jax.random.split(key, 12)
    std = 0.02
    return {
        "hidden_states": jax.random.normal(ks[0], (B, S, D), jnp.float32),
        "ln1_w": jnp.ones((D,), jnp.float32),
        "ln1_b": jnp.zeros((D,), jnp.float32),
        "ln2_w": jnp.ones((D,), jnp.float32),
        "ln2_b": jnp.zeros((D,), jnp.float32),
        "Wq": jax.random.normal(ks[1], (D, D), jnp.float32) * std,
        "bq": jnp.zeros((D,), jnp.float32),
        "Wk": jax.random.normal(ks[2], (D, D), jnp.float32) * std,
        "bk": jnp.zeros((D,), jnp.float32),
        "Wv": jax.random.normal(ks[3], (D, D), jnp.float32) * std,
        "bv": jnp.zeros((D,), jnp.float32),
        "Wo": jax.random.normal(ks[4], (D, D), jnp.float32) * std,
        "bo": jnp.zeros((D,), jnp.float32),
        "level_w": jnp.zeros((L,), jnp.float32),
        "Wr": jax.random.normal(ks[5], (D, E), jnp.float32) * std,
        "W1": jax.random.normal(ks[6], (E, D, FF), jnp.float32) * std,
        "b1": jnp.zeros((E, FF), jnp.float32),
        "W2": jax.random.normal(ks[7], (E, FF, D), jnp.float32) * std,
        "b2": jnp.zeros((E, D), jnp.float32),
    }


def _layernorm(x, w, b):
    mu = x.mean(-1, keepdims=True)
    var = ((x - mu) ** 2).mean(-1, keepdims=True)
    return (x - mu) / jnp.sqrt(var + EPS) * w + b


def _mla(x, Wq, bq, Wk, bk, Wv, bv, Wo, bo, level_w):
    dh = D // H
    q = (x @ Wq + bq).reshape(B, S, H, dh)
    lw = jax.nn.softmax(level_w)
    out = jnp.zeros((B, S, D), jnp.float32)
    for l in range(L):
        stride = 2 ** l
        kv = x if stride == 1 else x.reshape(B, S // stride, stride, D).mean(2)
        k = (kv @ Wk + bk).reshape(B, -1, H, dh)
        v = (kv @ Wv + bv).reshape(B, -1, H, dh)
        scores = jnp.einsum('bqhd,bkhd->bhqk', q, k) / np.sqrt(dh)
        attn = jax.nn.softmax(scores, -1)
        o = jnp.einsum('bhqk,bkhd->bqhd', attn, v).reshape(B, S, D)
        out = out + lw[l] * o
    return out @ Wo + bo


def _moe(x, Wr, W1, b1, W2, b2):
    T = B * S
    xf = x.reshape(T, D)
    logits = xf @ Wr
    probs = jax.nn.softmax(logits, -1)
    e_idx = jnp.argmax(logits, -1)
    gate = jnp.take_along_axis(probs, e_idx[:, None], axis=1)[:, 0]
    onehot = jax.nn.one_hot(e_idx, E, dtype=jnp.float32)
    pos = (jnp.cumsum(onehot, axis=0) * onehot).sum(-1).astype(jnp.int32) - 1
    keep = (pos < CAP).astype(jnp.float32)
    cpos = jnp.clip(pos, 0, CAP - 1)
    buf = jnp.zeros((E, CAP, D), jnp.float32).at[e_idx, cpos].add(xf * keep[:, None])
    h = jax.nn.gelu(jnp.einsum('ecd,edf->ecf', buf, W1) + b1[:, None, :])
    eo = jnp.einsum('ecf,efd->ecd', h, W2) + b2[:, None, :]
    y = eo[e_idx, cpos] * (gate * keep)[:, None]
    return y.reshape(B, S, D)


def reference(hidden_states, ln1_w, ln1_b, ln2_w, ln2_b, Wq, bq, Wk, bk, Wv, bv, Wo, bo, level_w, Wr, W1, b1, W2, b2):
    attn = _mla(_layernorm(hidden_states, ln1_w, ln1_b), Wq, bq, Wk, bk, Wv, bv, Wo, bo, level_w)
    hs = hidden_states + attn
    moe_out = _moe(_layernorm(hs, ln2_w, ln2_b), Wr, W1, b1, W2, b2)
    return hs + moe_out

if __name__ == "__main__":
    import jax
    _d = setup_inputs()
    print(jax.jit(kernel)(*tuple(_d.values())))

</pallas_src>

<mosaic_0001>
#map = affine_map<(d0, d1) -> (0)>
#map1 = affine_map<(d0, d1) -> (0, 0)>
module attributes {stable_mosaic.version = 14 : i64} {
  func.func @_sc_comb_body(%arg0: i32, %arg1: i32, %arg2: memref<2048xi32, #tpu.memory_space<hbm>>, %arg3: memref<2560x1024xf32, #tpu.memory_space<hbm>>, %arg4: memref<2048x1024xf32, #tpu.memory_space<hbm>>, %arg5: memref<2048xi32, #tpu.memory_space<vmem>>, %arg6: memref<64xi32, #tpu.memory_space<vmem>>, %arg7: memref<64x1024xf32, #tpu.memory_space<vmem>>, %arg8: memref<!tpu.dma_semaphore, #tpu.memory_space<semaphore_mem>>) attributes {dimension_semantics = [#tpu.dimension_semantics<core_parallel>, #tpu.dimension_semantics<subcore_parallel>], iteration_bounds = array<i64: 2, 16>, scalar_prefetch = 0 : i64, scratch_operands = 4 : i64, tpu.core_type = #tpu.core_type<sc_vector_subcore>, window_params = [{transform_indices = #map}, {transform_indices = #map1}, {transform_indices = #map1}]} {
    %mul3A = arith.constant 2 : i32
    %mul3A_0 = arith.muli %arg1, %mul3A : i32
    %add3A = arith.addi %mul3A_0, %arg0 : i32
    %mul3A_1 = arith.constant 64 : i32
    %mul3A_2 = arith.muli %add3A, %mul3A_1 : i32
    "tpu.region"() ({
      %run_scoped3A = tpu.sem_alloc : memref<!tpu.dma_semaphore, #tpu.memory_space<semaphore_mem>>
      tpu.enqueue_dma source(%arg2 : memref<2048xi32, #tpu.memory_space<hbm>>) target(%arg5 : memref<2048xi32, #tpu.memory_space<vmem>>) target_semaphore(%run_scoped3A : memref<!tpu.dma_semaphore, #tpu.memory_space<semaphore_mem>>)
      tpu.wait_dma2 semaphore(%run_scoped3A : memref<!tpu.dma_semaphore, #tpu.memory_space<semaphore_mem>>) src(%arg2 : memref<2048xi32, #tpu.memory_space<hbm>>) dst(%arg5 : memref<2048xi32, #tpu.memory_space<vmem>>)
      tpu.yield
    }) : () -> ()
    %scan3A = arith.constant 0 : i32
    %scan3A_3 = arith.constant 0 : i32
    %scan3A_4 = arith.constant 4 : i32
    %scan3A_5 = arith.addi %scan3A_3, %scan3A_4 : i32
    %scan3A_6 = arith.constant 1 : i32
    scf.for %scan3A_12 = %scan3A_3 to %scan3A_5 step %scan3A_6  : i32 {
      %mul3A_13 = arith.constant 16 : i32
      %mul3A_14 = arith.muli %scan3A_12, %mul3A_13 : i32
      %add3A_15 = arith.addi %mul3A_2, %mul3A_14 : i32
      %get3A = arith.index_cast %add3A_15 : i32 to index
      %get3A_16 = tpu.vector_load %arg5[%get3A] {strides = array<i32>} : memref<2048xi32, #tpu.memory_space<vmem>>, vector<16xi32>,
      %get3A_17 = vector.shape_cast %get3A_16 : vector<16xi32> to vector<16xi32>
      %mul3A_18 = arith.constant 16 : i32
      %mul3A_19 = arith.muli %scan3A_12, %mul3A_18 : i32
      %swap3A = arith.index_cast %mul3A_19 : i32 to index
      %swap3A_20 = tpu.vector_load %arg6[%swap3A] {strides = array<i32>} : memref<64xi32, #tpu.memory_space<vmem>>, vector<16xi32>,
      %swap3A_21 = vector.shape_cast %swap3A_20 : vector<16xi32> to vector<16xi32>
      %swap3A_22 = vector.shape_cast %get3A_17 : vector<16xi32> to vector<16xi32>
      tpu.vector_store %arg6[%swap3A], %swap3A_22 {strides = array<i32>} : memref<64xi32, #tpu.memory_space<vmem>>, vector<16xi32>,
    }
    %scan3A_7 = arith.constant 4 : i32
    %dma_start3A = arith.constant 0 : i32
    %dma_start3A_8 = arith.constant 0 : i32
    %dma_start3A_9 = tpu.memref_slice %arg3[%dma_start3A, %dma_start3A_8] : memref<2560x1024xf32, #tpu.memory_space<hbm>> -> memref<2560x1024xf32, #tpu.memory_space<hbm>>
    tpu.enqueue_indirect_dma source(%dma_start3A_9 : memref<2560x1024xf32, #tpu.memory_space<hbm>>) target(%arg7 : memref<64x1024xf32, #tpu.memory_space<vmem>>) offsets(%arg6 : memref<64xi32, #tpu.memory_space<vmem>>) semaphore(%arg8 : memref<!tpu.dma_semaphore, #tpu.memory_space<semaphore_mem>>)
    %dma_wait3A = arith.constant 0 : i32
    %dma_wait3A_10 = arith.constant 0 : i32
    %dma_wait3A_11 = tpu.memref_slice %arg3[%dma_wait3A, %dma_wait3A_10] : memref<2560x1024xf32, #tpu.memory_space<hbm>> -> memref<2560x1024xf32, #tpu.memory_space<hbm>>
    tpu.wait_indirect_dma semaphore(%arg8 : memref<!tpu.dma_semaphore, #tpu.memory_space<semaphore_mem>>) src(%dma_wait3A_11 : memref<2560x1024xf32, #tpu.memory_space<hbm>>) dst(%arg7 : memref<64x1024xf32, #tpu.memory_space<vmem>>)
    "tpu.region"() ({
      %run_scoped3A = tpu.sem_alloc : memref<!tpu.dma_semaphore, #tpu.memory_space<semaphore_mem>>
      %dma_start3A_12 = arith.constant 0 : i32
      %dma_start3A_13 = tpu.memref_slice %arg4[%mul3A_2, %dma_start3A_12] : memref<2048x1024xf32, #tpu.memory_space<hbm>> -> memref<64x1024xf32, #tpu.memory_space<hbm>>
      %dma_start3A_14 = arith.constant 0 : i32
      %dma_start3A_15 = tpu.memref_slice %arg4[%mul3A_2, %dma_start3A_14] : memref<2048x1024xf32, #tpu.memory_space<hbm>> -> memref<64x1024xf32, #tpu.memory_space<hbm>>
      tpu.enqueue_dma source(%arg7 : memref<64x1024xf32, #tpu.memory_space<vmem>>) target(%dma_start3A_15 : memref<64x1024xf32, #tpu.memory_space<hbm>>) target_semaphore(%run_scoped3A : memref<!tpu.dma_semaphore, #tpu.memory_space<semaphore_mem>>)
      %dma_wait3A_16 = arith.constant 0 : i32
      %dma_wait3A_17 = tpu.memref_slice %arg4[%mul3A_2, %dma_wait3A_16] : memref<2048x1024xf32, #tpu.memory_space<hbm>> -> memref<64x1024xf32, #tpu.memory_space<hbm>>
      %dma_wait3A_18 = arith.constant 0 : i32
      %dma_wait3A_19 = tpu.memref_slice %arg4[%mul3A_2, %dma_wait3A_18] : memref<2048x1024xf32, #tpu.memory_space<hbm>> -> memref<64x1024xf32, #tpu.memory_space<hbm>>
      tpu.wait_dma2 semaphore(%run_scoped3A : memref<!tpu.dma_semaphore, #tpu.memory_space<semaphore_mem>>) src(%arg7 : memref<64x1024xf32, #tpu.memory_space<vmem>>) dst(%dma_wait3A_19 : memref<64x1024xf32, #tpu.memory_space<hbm>>)
      tpu.yield
    }) : () -> ()
    return
  }
}

#map = affine_map<(d0, d1) -> (0)>
#map1 = affine_map<(d0, d1) -> (0, 0)>
module attributes {stable_mosaic.version = 14 : i64} {
  func.func @_sc_disp_body(%arg0: i32, %arg1: i32, %arg2: memref<2048xi32, #tpu.memory_space<hbm>>, %arg3: memref<2048x1024xf32, #tpu.memory_space<hbm>>, %arg4: memref<2568x1024xf32, #tpu.memory_space<hbm>>, %arg5: memref<2048xi32, #tpu.memory_space<vmem>>, %arg6: memref<64xi32, #tpu.memory_space<vmem>>, %arg7: memref<64x1024xf32, #tpu.memory_space<vmem>>, %arg8: memref<!tpu.dma_semaphore, #tpu.memory_space<semaphore_mem>>) attributes {dimension_semantics = [#tpu.dimension_semantics<core_parallel>, #tpu.dimension_semantics<subcore_parallel>], iteration_bounds = array<i64: 2, 16>, scalar_prefetch = 0 : i64, scratch_operands = 4 : i64, tpu.core_type = #tpu.core_type<sc_vector_subcore>, window_params = [{transform_indices = #map}, {transform_indices = #map1}, {transform_indices = #map1}]} {
    %mul3A = arith.constant 2 : i32
    %mul3A_0 = arith.muli %arg1, %mul3A : i32
    %add3A = arith.addi %mul3A_0, %arg0 : i32
    %mul3A_1 = arith.constant 64 : i32
    %mul3A_2 = arith.muli %add3A, %mul3A_1 : i32
    "tpu.region"() ({
      %run_scoped3A = tpu.sem_alloc : memref<!tpu.dma_semaphore, #tpu.memory_space<semaphore_mem>>
      tpu.enqueue_dma source(%arg2 : memref<2048xi32, #tpu.memory_space<hbm>>) target(%arg5 : memref<2048xi32, #tpu.memory_space<vmem>>) target_semaphore(%run_scoped3A : memref<!tpu.dma_semaphore, #tpu.memory_space<semaphore_mem>>)
      tpu.wait_dma2 semaphore(%run_scoped3A : memref<!tpu.dma_semaphore, #tpu.memory_space<semaphore_mem>>) src(%arg2 : memref<2048xi32, #tpu.memory_space<hbm>>) dst(%arg5 : memref<2048xi32, #tpu.memory_space<vmem>>)
      tpu.yield
    }) : () -> ()
    %scan3A = arith.constant 0 : i32
    %scan3A_3 = arith.constant 0 : i32
    %scan3A_4 = arith.constant 4 : i32
    %scan3A_5 = arith.addi %scan3A_3, %scan3A_4 : i32
    %scan3A_6 = arith.constant 1 : i32
    scf.for %scan3A_12 = %scan3A_3 to %scan3A_5 step %scan3A_6  : i32 {
      %mul3A_13 = arith.constant 16 : i32
      %mul3A_14 = arith.muli %scan3A_12, %mul3A_13 : i32
      %add3A_15 = arith.addi %mul3A_2, %mul3A_14 : i32
      %get3A = arith.index_cast %add3A_15 : i32 to index
      %get3A_16 = tpu.vector_load %arg5[%get3A] {strides = array<i32>} : memref<2048xi32, #tpu.memory_space<vmem>>, vector<16xi32>,
      %get3A_17 = vector.shape_cast %get3A_16 : vector<16xi32> to vector<16xi32>
      %mul3A_18 = arith.constant 16 : i32
      %mul3A_19 = arith.muli %scan3A_12, %mul3A_18 : i32
      %swap3A = arith.index_cast %mul3A_19 : i32 to index
      %swap3A_20 = tpu.vector_load %arg6[%swap3A] {strides = array<i32>} : memref<64xi32, #tpu.memory_space<vmem>>, vector<16xi32>,
      %swap3A_21 = vector.shape_cast %swap3A_20 : vector<16xi32> to vector<16xi32>
      %swap3A_22 = vector.shape_cast %get3A_17 : vector<16xi32> to vector<16xi32>
      tpu.vector_store %arg6[%swap3A], %swap3A_22 {strides = array<i32>} : memref<64xi32, #tpu.memory_space<vmem>>, vector<16xi32>,
    }
    %scan3A_7 = arith.constant 4 : i32
    "tpu.region"() ({
      %run_scoped3A = tpu.sem_alloc : memref<!tpu.dma_semaphore, #tpu.memory_space<semaphore_mem>>
      %dma_start3A_12 = arith.constant 0 : i32
      %dma_start3A_13 = tpu.memref_slice %arg3[%mul3A_2, %dma_start3A_12] : memref<2048x1024xf32, #tpu.memory_space<hbm>> -> memref<64x1024xf32, #tpu.memory_space<hbm>>
      %dma_start3A_14 = arith.constant 0 : i32
      %dma_start3A_15 = tpu.memref_slice %arg3[%mul3A_2, %dma_start3A_14] : memref<2048x1024xf32, #tpu.memory_space<hbm>> -> memref<64x1024xf32, #tpu.memory_space<hbm>>
      tpu.enqueue_dma source(%dma_start3A_15 : memref<64x1024xf32, #tpu.memory_space<hbm>>) target(%arg7 : memref<64x1024xf32, #tpu.memory_space<vmem>>) target_semaphore(%run_scoped3A : memref<!tpu.dma_semaphore, #tpu.memory_space<semaphore_mem>>)
      %dma_wait3A_16 = arith.constant 0 : i32
      %dma_wait3A_17 = tpu.memref_slice %arg3[%mul3A_2, %dma_wait3A_16] : memref<2048x1024xf32, #tpu.memory_space<hbm>> -> memref<64x1024xf32, #tpu.memory_space<hbm>>
      %dma_wait3A_18 = arith.constant 0 : i32
      %dma_wait3A_19 = tpu.memref_slice %arg3[%mul3A_2, %dma_wait3A_18] : memref<2048x1024xf32, #tpu.memory_space<hbm>> -> memref<64x1024xf32, #tpu.memory_space<hbm>>
      tpu.wait_dma2 semaphore(%run_scoped3A : memref<!tpu.dma_semaphore, #tpu.memory_space<semaphore_mem>>) src(%dma_wait3A_19 : memref<64x1024xf32, #tpu.memory_space<hbm>>) dst(%arg7 : memref<64x1024xf32, #tpu.memory_space<vmem>>)
      tpu.yield
    }) : () -> ()
    %dma_start3A = arith.constant 0 : i32
    %dma_start3A_8 = arith.constant 0 : i32
    %dma_start3A_9 = tpu.memref_slice %arg4[%dma_start3A, %dma_start3A_8] : memref<2568x1024xf32, #tpu.memory_space<hbm>> -> memref<2568x1024xf32, #tpu.memory_space<hbm>>
    tpu.enqueue_indirect_dma source(%arg7 : memref<64x1024xf32, #tpu.memory_space<vmem>>) target(%dma_start3A_9 : memref<2568x1024xf32, #tpu.memory_space<hbm>>) offsets(%arg6 : memref<64xi32, #tpu.memory_space<vmem>>) semaphore(%arg8 : memref<!tpu.dma_semaphore, #tpu.memory_space<semaphore_mem>>)
    %dma_wait3A = arith.constant 0 : i32
    %dma_wait3A_10 = arith.constant 0 : i32
    %dma_wait3A_11 = tpu.memref_slice %arg4[%dma_wait3A, %dma_wait3A_10] : memref<2568x1024xf32, #tpu.memory_space<hbm>> -> memref<2568x1024xf32, #tpu.memory_space<hbm>>
    tpu.wait_indirect_dma semaphore(%arg8 : memref<!tpu.dma_semaphore, #tpu.memory_space<semaphore_mem>>) src(%arg7 : memref<64x1024xf32, #tpu.memory_space<vmem>>) dst(%dma_wait3A_11 : memref<2568x1024xf32, #tpu.memory_space<hbm>>)
    return
  }
}

module attributes {stable_mosaic.version = 14 : i64} {
  func.func @_ln_qkv_body(%arg0: i32, %arg1: memref<256x1024xf32, #tpu.memory_space<vmem>>, %arg2: memref<1x1024xf32, #tpu.memory_space<vmem>>, %arg3: memref<1x1024xf32, #tpu.memory_space<vmem>>, %arg4: memref<1024x1024xf32, #tpu.memory_space<vmem>>, %arg5: memref<1x1024xf32, #tpu.memory_space<vmem>>, %arg6: memref<1024x1024xf32, #tpu.memory_space<vmem>>, %arg7: memref<1x1024xf32, #tpu.memory_space<vmem>>, %arg8: memref<1024x1024xf32, #tpu.memory_space<vmem>>, %arg9: memref<1x1024xf32, #tpu.memory_space<vmem>>, %arg10: memref<256x1024xf32, #tpu.memory_space<vmem>>, %arg11: memref<256x1024xf32, #tpu.memory_space<vmem>>, %arg12: memref<256x1024xf32, #tpu.memory_space<vmem>>, %arg13: memref<128x1024xf32, #tpu.memory_space<vmem>>, %arg14: memref<128x1024xf32, #tpu.memory_space<vmem>>, %arg15: memref<64x1024xf32, #tpu.memory_space<vmem>>, %arg16: memref<64x1024xf32, #tpu.memory_space<vmem>>) attributes {dimension_semantics = [#tpu.dimension_semantics<arbitrary>], iteration_bounds = array<i64: 8>, scalar_prefetch = 0 : i64, scratch_operands = 0 : i64, tpu.core_type = #tpu.core_type<tc>, window_params = [{transform_indices = @transform_0, window_bounds = array<i64: 256, 1024>}, {pipeline_mode = #tpu.pipeline_mode<synchronous>, transform_indices = @transform_1, window_bounds = array<i64: 1, 1024>}, {pipeline_mode = #tpu.pipeline_mode<synchronous>, transform_indices = @transform_2, window_bounds = array<i64: 1, 1024>}, {pipeline_mode = #tpu.pipeline_mode<synchronous>, transform_indices = @transform_3, window_bounds = array<i64: 1024, 1024>}, {pipeline_mode = #tpu.pipeline_mode<synchronous>, transform_indices = @transform_4, window_bounds = array<i64: 1, 1024>}, {pipeline_mode = #tpu.pipeline_mode<synchronous>, transform_indices = @transform_5, window_bounds = array<i64: 1024, 1024>}, {pipeline_mode = #tpu.pipeline_mode<synchronous>, transform_indices = @transform_6, window_bounds = array<i64: 1, 1024>}, {pipeline_mode = #tpu.pipeline_mode<synchronous>, transform_indices = @transform_7, window_bounds = array<i64: 1024, 1024>}, {pipeline_mode = #tpu.pipeline_mode<synchronous>, transform_indices = @transform_8, window_bounds = array<i64: 1, 1024>}, {transform_indices = @transform_9, window_bounds = array<i64: 256, 1024>}, {transform_indices = @transform_10, window_bounds = array<i64: 256, 1024>}, {transform_indices = @transform_11, window_bounds = array<i64: 256, 1024>}, {transform_indices = @transform_12, window_bounds = array<i64: 128, 1024>}, {transform_indices = @transform_13, window_bounds = array<i64: 128, 1024>}, {transform_indices = @transform_14, window_bounds = array<i64: 64, 1024>}, {transform_indices = @transform_15, window_bounds = array<i64: 64, 1024>}]} {
    %get3A = arith.constant 0 : index
    %get3A_0 = arith.constant 0 : index
    %get3A_1 = vector.load %arg1[%get3A, %get3A_0] : memref<256x1024xf32, #tpu.memory_space<vmem>>, vector<256x1024xf32>
    %reduce_sum3A = arith.constant dense<0.000000e+00> : vector<256xf32>
    %reduce_sum3A_2 = vector.multi_reduction <add>, %get3A_1, %reduce_sum3A [1] : vector<256x1024xf32> to vector<256xf32>
    %broadcast_in_dim3A = vector.shape_cast %reduce_sum3A_2 : vector<256xf32> to vector<256x1xf32>
    %div3A = arith.constant 1.024000e+03 : f32
    %div3A_3 = vector.broadcast %div3A : f32 to vector<256x1xf32>
    %div3A_4 = arith.divf %broadcast_in_dim3A, %div3A_3 : vector<256x1xf32>
    %sub3A = vector.broadcast %div3A_4 : vector<256x1xf32> to vector<256x1024xf32>
    %sub3A_5 = arith.subf %get3A_1, %sub3A : vector<256x1024xf32>
    %mul3A = arith.mulf %sub3A_5, %sub3A_5 : vector<256x1024xf32>
    %reduce_sum3A_6 = arith.constant dense<0.000000e+00> : vector<256xf32>
    %reduce_sum3A_7 = vector.multi_reduction <add>, %mul3A, %reduce_sum3A_6 [1] : vector<256x1024xf32> to vector<256xf32>
    %broadcast_in_dim3A_8 = vector.shape_cast %reduce_sum3A_7 : vector<256xf32> to vector<256x1xf32>
    %div3A_9 = arith.constant 1.024000e+03 : f32
    %div3A_10 = vector.broadcast %div3A_9 : f32 to vector<256x1xf32>
    %div3A_11 = arith.divf %broadcast_in_dim3A_8, %div3A_10 : vector<256x1xf32>
    %add3A = arith.constant 9.99999974E-6 : f32
    %add3A_12 = vector.broadcast %add3A : f32 to vector<256x1xf32>
    %add3A_13 = arith.addf %div3A_11, %add3A_12 : vector<256x1xf32>
    %sqrt3A = math.sqrt %add3A_13 : vector<256x1xf32>
    %div3A_14 = vector.broadcast %sqrt3A : vector<256x1xf32> to vector<256x1024xf32>
    %div3A_15 = arith.divf %sub3A_5, %div3A_14 : vector<256x1024xf32>
    %get3A_16 = arith.constant 0 : index
    %get3A_17 = arith.constant 0 : index
    %get3A_18 = vector.load %arg2[%get3A_16, %get3A_17] : memref<1x1024xf32, #tpu.memory_space<vmem>>, vector<1x1024xf32>
    %mul3A_19 = vector.broadcast %get3A_18 : vector<1x1024xf32> to vector<256x1024xf32>
    %mul3A_20 = arith.mulf %div3A_15, %mul3A_19 : vector<256x1024xf32>
    %get3A_21 = arith.constant 0 : index
    %get3A_22 = arith.constant 0 : index
    %get3A_23 = vector.load %arg3[%get3A_21, %get3A_22] : memref<1x1024xf32, #tpu.memory_space<vmem>>, vector<1x1024xf32>
    %add3A_24 = vector.broadcast %get3A_23 : vector<1x1024xf32> to vector<256x1024xf32>
    %add3A_25 = arith.addf %mul3A_20, %add3A_24 : vector<256x1024xf32>
    %get3A_26 = arith.constant 0 : index
    %get3A_27 = arith.constant 0 : index
    %get3A_28 = vector.load %arg4[%get3A_26, %get3A_27] : memref<1024x1024xf32, #tpu.memory_space<vmem>>, vector<1024x1024xf32>
    %dot_general3A = arith.constant dense<0.000000e+00> : vector<256x1024xf32>
    %dot_general3A_29 = tpu.matmul %add3A_25, %get3A_28, %dot_general3A {dimension_numbers = #tpu.dot_dimension_numbers<[1], [0], [0], [1], [0, 0, 1, 1], [], []>, transpose_lhs_hint = false} : vector<256x1024xf32>, vector<1024x1024xf32>, vector<256x1024xf32> -> vector<256x1024xf32>
    %get3A_30 = arith.constant 0 : index
    %get3A_31 = arith.constant 0 : index
    %get3A_32 = vector.load %arg5[%get3A_30, %get3A_31] : memref<1x1024xf32, #tpu.memory_space<vmem>>, vector<1x1024xf32>
    %add3A_33 = vector.broadcast %get3A_32 : vector<1x1024xf32> to vector<256x1024xf32>
    %add3A_34 = arith.addf %dot_general3A_29, %add3A_33 : vector<256x1024xf32>
    %mul3A_35 = arith.constant 1.250000e-01 : f32
    %mul3A_36 = vector.broadcast %mul3A_35 : f32 to vector<256x1024xf32>
    %mul3A_37 = arith.mulf %add3A_34, %mul3A_36 : vector<256x1024xf32>
    %swap3A = arith.constant 0 : index
    %swap3A_38 = arith.constant 0 : index
    %swap3A_39 = vector.load %arg10[%swap3A, %swap3A_38] : memref<256x1024xf32, #tpu.memory_space<vmem>>, vector<256x1024xf32>
    tpu.vector_store %arg10[%swap3A, %swap3A_38], %mul3A_37 {strides = array<i32>} : memref<256x1024xf32, #tpu.memory_space<vmem>>, vector<256x1024xf32>,
    %get3A_40 = arith.constant 0 : index
    %get3A_41 = arith.constant 0 : index
    %get3A_42 = vector.load %arg6[%get3A_40, %get3A_41] : memref<1024x1024xf32, #tpu.memory_space<vmem>>, vector<1024x1024xf32>
    %dot_general3A_43 = arith.constant dense<0.000000e+00> : vector<256x1024xf32>
    %dot_general3A_44 = tpu.matmul %add3A_25, %get3A_42, %dot_general3A_43 {dimension_numbers = #tpu.dot_dimension_numbers<[1], [0], [0], [1], [0, 0, 1, 1], [], []>, transpose_lhs_hint = false} : vector<256x1024xf32>, vector<1024x1024xf32>, vector<256x1024xf32> -> vector<256x1024xf32>
    %get3A_45 = arith.constant 0 : index
    %get3A_46 = arith.constant 0 : index
    %get3A_47 = vector.load %arg7[%get3A_45, %get3A_46] : memref<1x1024xf32, #tpu.memory_space<vmem>>, vector<1x1024xf32>
    %add3A_48 = vector.broadcast %get3A_47 : vector<1x1024xf32> to vector<256x1024xf32>
    %add3A_49 = arith.addf %dot_general3A_44, %add3A_48 : vector<256x1024xf32>
    %get3A_50 = arith.constant 0 : index
    %get3A_51 = arith.constant 0 : index
    %get3A_52 = vector.load %arg8[%get3A_50, %get3A_51] : memref<1024x1024xf32, #tpu.memory_space<vmem>>, vector<1024x1024xf32>
    %dot_general3A_53 = arith.constant dense<0.000000e+00> : vector<256x1024xf32>
    %dot_general3A_54 = tpu.matmul %add3A_25, %get3A_52, %dot_general3A_53 {dimension_numbers = #tpu.dot_dimension_numbers<[1], [0], [0], [1], [0, 0, 1, 1], [], []>, transpose_lhs_hint = false} : vector<256x1024xf32>, vector<1024x1024xf32>, vector<256x1024xf32> -> vector<256x1024xf32>
    %get3A_55 = arith.constant 0 : index
    %get3A_56 = arith.constant 0 : index
    %get3A_57 = vector.load %arg9[%get3A_55, %get3A_56] : memref<1x1024xf32, #tpu.memory_space<vmem>>, vector<1x1024xf32>
    %add3A_58 = vector.broadcast %get3A_57 : vector<1x1024xf32> to vector<256x1024xf32>
    %add3A_59 = arith.addf %dot_general3A_54, %add3A_58 : vector<256x1024xf32>
    %swap3A_60 = arith.constant 0 : index
    %swap3A_61 = arith.constant 0 : index
    %swap3A_62 = vector.load %arg11[%swap3A_60, %swap3A_61] : memref<256x1024xf32, #tpu.memory_space<vmem>>, vector<256x1024xf32>
    tpu.vector_store %arg11[%swap3A_60, %swap3A_61], %add3A_49 {strides = array<i32>} : memref<256x1024xf32, #tpu.memory_space<vmem>>, vector<256x1024xf32>,
    %swap3A_63 = arith.constant 0 : index
    %swap3A_64 = arith.constant 0 : index
    %swap3A_65 = vector.load %arg12[%swap3A_63, %swap3A_64] : memref<256x1024xf32, #tpu.memory_space<vmem>>, vector<256x1024xf32>
    tpu.vector_store %arg12[%swap3A_63, %swap3A_64], %add3A_59 {strides = array<i32>} : memref<256x1024xf32, #tpu.memory_space<vmem>>, vector<256x1024xf32>,
    %iota3A = tpu.iota {dimensions = array<i32: 0>} : vector<128x256xi32>
    %iota3A_66 = tpu.iota {dimensions = array<i32: 1>} : vector<128x256xi32>
    %jit3A = arith.constant 2 : i32
    %div3A_67 = vector.broadcast %jit3A : i32 to vector<128x256xi32>
    %div3A_68 = arith.divsi %iota3A_66, %div3A_67 : vector<128x256xi32>
    %sign3A = arith.constant 0 : i32
    %sign3A_69 = vector.broadcast %sign3A : i32 to vector<128x256xi32>
    %sign3A_70 = arith.cmpi sgt, %iota3A_66, %sign3A_69 : vector<128x256xi32>
    %sign3A_71 = arith.extui %sign3A_70 : vector<128x256xi1> to vector<128x256xi32>
    %sign3A_72 = arith.constant 0 : i32
    %sign3A_73 = vector.broadcast %sign3A_72 : i32 to vector<128x256xi32>
    %sign3A_74 = arith.cmpi slt, %iota3A_66, %sign3A_73 : vector<128x256xi32>
    %sign3A_75 = arith.extui %sign3A_74 : vector<128x256xi1> to vector<128x256xi32>
    %sign3A_76 = arith.subi %sign3A_71, %sign3A_75 : vector<128x256xi32>
    %sign3A_77 = arith.constant 0 : i32
    %sign3A_78 = arith.cmpi sgt, %jit3A, %sign3A_77 : i32
    %sign3A_79 = arith.extui %sign3A_78 : i1 to i32
    %sign3A_80 = arith.constant 0 : i32
    %sign3A_81 = arith.cmpi slt, %jit3A, %sign3A_80 : i32
    %sign3A_82 = arith.extui %sign3A_81 : i1 to i32
    %sign3A_83 = arith.subi %sign3A_79, %sign3A_82 : i32
    %ne3A = vector.broadcast %sign3A_83 : i32 to vector<128x256xi32>
    %ne3A_84 = arith.cmpi ne, %sign3A_76, %ne3A : vector<128x256xi32>
    %rem3A = vector.broadcast %jit3A : i32 to vector<128x256xi32>
    %rem3A_85 = arith.remsi %iota3A_66, %rem3A : vector<128x256xi32>
    %ne3A_86 = arith.constant 0 : i32
    %ne3A_87 = vector.broadcast %ne3A_86 : i32 to vector<128x256xi32>
    %ne3A_88 = arith.cmpi ne, %rem3A_85, %ne3A_87 : vector<128x256xi32>
    %and3A = arith.andi %ne3A_84, %ne3A_88 : vector<128x256xi1>
    %sub3A_89 = arith.constant 1 : i32
    %sub3A_90 = vector.broadcast %sub3A_89 : i32 to vector<128x256xi32>
    %sub3A_91 = arith.subi %div3A_68, %sub3A_90 : vector<128x256xi32>
    %select_n3A = arith.select %and3A, %sub3A_91, %div3A_68 : vector<128x256xi1>, vector<128x256xi32>
    %eq3A = arith.cmpi eq, %iota3A, %select_n3A : vector<128x256xi32>
    %jit3A_92 = arith.constant 5.000000e-01 : f32
    %jit3A_93 = arith.constant 0.000000e+00 : f32
    %broadcast_in_dim3A_94 = vector.broadcast %jit3A_92 : f32 to vector<128x256xf32>
    %broadcast_in_dim3A_95 = vector.broadcast %jit3A_93 : f32 to vector<128x256xf32>
    %select_n3A_96 = arith.select %eq3A, %broadcast_in_dim3A_94, %broadcast_in_dim3A_95 : vector<128x256xi1>, vector<128x256xf32>
    %dot_general3A_97 = arith.constant dense<0.000000e+00> : vector<128x1024xf32>
    %dot_general3A_98 = tpu.matmul %select_n3A_96, %add3A_49, %dot_general3A_97 {dimension_numbers = #tpu.dot_dimension_numbers<[1], [0], [0], [1], [0, 0, 1, 1], [], []>, transpose_lhs_hint = false} : vector<128x256xf32>, vector<256x1024xf32>, vector<128x1024xf32> -> vector<128x1024xf32>
    %swap3A_99 = arith.constant 0 : index
    %swap3A_100 = arith.constant 0 : index
    %swap3A_101 = vector.load %arg13[%swap3A_99, %swap3A_100] : memref<128x1024xf32, #tpu.memory_space<vmem>>, vector<128x1024xf32>
    tpu.vector_store %arg13[%swap3A_99, %swap3A_100], %dot_general3A_98 {strides = array<i32>} : memref<128x1024xf32, #tpu.memory_space<vmem>>, vector<128x1024xf32>,
    %dot_general3A_102 = arith.constant dense<0.000000e+00> : vector<128x1024xf32>
    %dot_general3A_103 = tpu.matmul %select_n3A_96, %add3A_59, %dot_general3A_102 {dimension_numbers = #tpu.dot_dimension_numbers<[1], [0], [0], [1], [0, 0, 1, 1], [], []>, transpose_lhs_hint = false} : vector<128x256xf32>, vector<256x1024xf32>, vector<128x1024xf32> -> vector<128x1024xf32>
    %swap3A_104 = arith.constant 0 : index
    %swap3A_105 = arith.constant 0 : index
    %swap3A_106 = vector.load %arg14[%swap3A_104, %swap3A_105] : memref<128x1024xf32, #tpu.memory_space<vmem>>, vector<128x1024xf32>
    tpu.vector_store %arg14[%swap3A_104, %swap3A_105], %dot_general3A_103 {strides = array<i32>} : memref<128x1024xf32, #tpu.memory_space<vmem>>, vector<128x1024xf32>,
    %iota3A_107 = tpu.iota {dimensions = array<i32: 0>} : vector<64x256xi32>
    %iota3A_108 = tpu.iota {dimensions = array<i32: 1>} : vector<64x256xi32>
    %jit3A_109 = arith.constant 4 : i32
    %div3A_110 = vector.broadcast %jit3A_109 : i32 to vector<64x256xi32>
    %div3A_111 = arith.divsi %iota3A_108, %div3A_110 : vector<64x256xi32>
    %sign3A_112 = arith.constant 0 : i32
    %sign3A_113 = vector.broadcast %sign3A_112 : i32 to vector<64x256xi32>
    %sign3A_114 = arith.cmpi sgt, %iota3A_108, %sign3A_113 : vector<64x256xi32>
    %sign3A_115 = arith.extui %sign3A_114 : vector<64x256xi1> to vector<64x256xi32>
    %sign3A_116 = arith.constant 0 : i32
    %sign3A_117 = vector.broadcast %sign3A_116 : i32 to vector<64x256xi32>
    %sign3A_118 = arith.cmpi slt, %iota3A_108, %sign3A_117 : vector<64x256xi32>
    %sign3A_119 = arith.extui %sign3A_118 : vector<64x256xi1> to vector<64x256xi32>
    %sign3A_120 = arith.subi %sign3A_115, %sign3A_119 : vector<64x256xi32>
    %sign3A_121 = arith.constant 0 : i32
    %sign3A_122 = arith.cmpi sgt, %jit3A_109, %sign3A_121 : i32
    %sign3A_123 = arith.extui %sign3A_122 : i1 to i32
    %sign3A_124 = arith.constant 0 : i32
    %sign3A_125 = arith.cmpi slt, %jit3A_109, %sign3A_124 : i32
    %sign3A_126 = arith.extui %sign3A_125 : i1 to i32
    %sign3A_127 = arith.subi %sign3A_123, %sign3A_126 : i32
    %ne3A_128 = vector.broadcast %sign3A_127 : i32 to vector<64x256xi32>
    %ne3A_129 = arith.cmpi ne, %sign3A_120, %ne3A_128 : vector<64x256xi32>
    %rem3A_130 = vector.broadcast %jit3A_109 : i32 to vector<64x256xi32>
    %rem3A_131 = arith.remsi %iota3A_108, %rem3A_130 : vector<64x256xi32>
    %ne3A_132 = arith.constant 0 : i32
    %ne3A_133 = vector.broadcast %ne3A_132 : i32 to vector<64x256xi32>
    %ne3A_134 = arith.cmpi ne, %rem3A_131, %ne3A_133 : vector<64x256xi32>
    %and3A_135 = arith.andi %ne3A_129, %ne3A_134 : vector<64x256xi1>
    %sub3A_136 = arith.constant 1 : i32
    %sub3A_137 = vector.broadcast %sub3A_136 : i32 to vector<64x256xi32>
    %sub3A_138 = arith.subi %div3A_111, %sub3A_137 : vector<64x256xi32>
    %select_n3A_139 = arith.select %and3A_135, %sub3A_138, %div3A_111 : vector<64x256xi1>, vector<64x256xi32>
    %eq3A_140 = arith.cmpi eq, %iota3A_107, %select_n3A_139 : vector<64x256xi32>
    %jit3A_141 = arith.constant 2.500000e-01 : f32
    %jit3A_142 = arith.constant 0.000000e+00 : f32
    %broadcast_in_dim3A_143 = vector.broadcast %jit3A_141 : f32 to vector<64x256xf32>
    %broadcast_in_dim3A_144 = vector.broadcast %jit3A_142 : f32 to vector<64x256xf32>
    %select_n3A_145 = arith.select %eq3A_140, %broadcast_in_dim3A_143, %broadcast_in_dim3A_144 : vector<64x256xi1>, vector<64x256xf32>
    %dot_general3A_146 = arith.constant dense<0.000000e+00> : vector<64x1024xf32>
    %dot_general3A_147 = tpu.matmul %select_n3A_145, %add3A_49, %dot_general3A_146 {dimension_numbers = #tpu.dot_dimension_numbers<[1], [0], [0], [1], [0, 0, 1, 1], [], []>, transpose_lhs_hint = false} : vector<64x256xf32>, vector<256x1024xf32>, vector<64x1024xf32> -> vector<64x1024xf32>
    %swap3A_148 = arith.constant 0 : index
    %swap3A_149 = arith.constant 0 : index
    %swap3A_150 = vector.load %arg15[%swap3A_148, %swap3A_149] : memref<64x1024xf32, #tpu.memory_space<vmem>>, vector<64x1024xf32>
    tpu.vector_store %arg15[%swap3A_148, %swap3A_149], %dot_general3A_147 {strides = array<i32>} : memref<64x1024xf32, #tpu.memory_space<vmem>>, vector<64x1024xf32>,
    %dot_general3A_151 = arith.constant dense<0.000000e+00> : vector<64x1024xf32>
    %dot_general3A_152 = tpu.matmul %select_n3A_145, %add3A_59, %dot_general3A_151 {dimension_numbers = #tpu.dot_dimension_numbers<[1], [0], [0], [1], [0, 0, 1, 1], [], []>, transpose_lhs_hint = false} : vector<64x256xf32>, vector<256x1024xf32>, vector<64x1024xf32> -> vector<64x1024xf32>
    %swap3A_153 = arith.constant 0 : index
    %swap3A_154 = arith.constant 0 : index
    %swap3A_155 = vector.load %arg16[%swap3A_153, %swap3A_154] : memref<64x1024xf32, #tpu.memory_space<vmem>>, vector<64x1024xf32>
    tpu.vector_store %arg16[%swap3A_153, %swap3A_154], %dot_general3A_152 {strides = array<i32>} : memref<64x1024xf32, #tpu.memory_space<vmem>>, vector<64x1024xf32>,
    return
  }
  func.func @transform_0(%arg0: i32) -> (i32, i32) {
    %c0_i32 = arith.constant 0 : i32
    %c0_i32_0 = arith.constant 0 : i32
    return %arg0, %c0_i32 : i32, i32
  }
  func.func @transform_1(%arg0: i32) -> (i32, i32) {
    %c0_i32 = arith.constant 0 : i32
    %c0_i32_0 = arith.constant 0 : i32
    %c0_i32_1 = arith.constant 0 : i32
    return %c0_i32, %c0_i32_0 : i32, i32
  }
  func.func @transform_2(%arg0: i32) -> (i32, i32) {
    %c0_i32 = arith.constant 0 : i32
    %c0_i32_0 = arith.constant 0 : i32
    %c0_i32_1 = arith.constant 0 : i32
    return %c0_i32, %c0_i32_0 : i32, i32
  }
  func.func @transform_3(%arg0: i32) -> (i32, i32) {
    %c0_i32 = arith.constant 0 : i32
    %c0_i32_0 = arith.constant 0 : i32
    %c0_i32_1 = arith.constant 0 : i32
    return %c0_i32, %c0_i32_0 : i32, i32
  }
  func.func @transform_4(%arg0: i32) -> (i32, i32) {
    %c0_i32 = arith.constant 0 : i32
    %c0_i32_0 = arith.constant 0 : i32
    %c0_i32_1 = arith.constant 0 : i32
    return %c0_i32, %c0_i32_0 : i32, i32
  }
  func.func @transform_5(%arg0: i32) -> (i32, i32) {
    %c0_i32 = arith.constant 0 : i32
    %c0_i32_0 = arith.constant 0 : i32
    %c0_i32_1 = arith.constant 0 : i32
    return %c0_i32, %c0_i32_0 : i32, i32
  }
  func.func @transform_6(%arg0: i32) -> (i32, i32) {
    %c0_i32 = arith.constant 0 : i32
    %c0_i32_0 = arith.constant 0 : i32
    %c0_i32_1 = arith.constant 0 : i32
    return %c0_i32, %c0_i32_0 : i32, i32
  }
  func.func @transform_7(%arg0: i32) -> (i32, i32) {
    %c0_i32 = arith.constant 0 : i32
    %c0_i32_0 = arith.constant 0 : i32
    %c0_i32_1 = arith.constant 0 : i32
    return %c0_i32, %c0_i32_0 : i32, i32
  }
  func.func @transform_8(%arg0: i32) -> (i32, i32) {
    %c0_i32 = arith.constant 0 : i32
    %c0_i32_0 = arith.constant 0 : i32
    %c0_i32_1 = arith.constant 0 : i32
    return %c0_i32, %c0_i32_0 : i32, i32
  }
  func.func @transform_9(%arg0: i32) -> (i32, i32) {
    %c0_i32 = arith.constant 0 : i32
    %c0_i32_0 = arith.constant 0 : i32
    return %arg0, %c0_i32 : i32, i32
  }
  func.func @transform_10(%arg0: i32) -> (i32, i32) {
    %c0_i32 = arith.constant 0 : i32
    %c0_i32_0 = arith.constant 0 : i32
    return %arg0, %c0_i32 : i32, i32
  }
  func.func @transform_11(%arg0: i32) -> (i32, i32) {
    %c0_i32 = arith.constant 0 : i32
    %c0_i32_0 = arith.constant 0 : i32
    return %arg0, %c0_i32 : i32, i32
  }
  func.func @transform_12(%arg0: i32) -> (i32, i32) {
    %c0_i32 = arith.constant 0 : i32
    %c0_i32_0 = arith.constant 0 : i32
    return %arg0, %c0_i32 : i32, i32
  }
  func.func @transform_13(%arg0: i32) -> (i32, i32) {
    %c0_i32 = arith.constant 0 : i32
    %c0_i32_0 = arith.constant 0 : i32
    return %arg0, %c0_i32 : i32, i32
  }
  func.func @transform_14(%arg0: i32) -> (i32, i32) {
    %c0_i32 = arith.constant 0 : i32
    %c0_i32_0 = arith.constant 0 : i32
    return %arg0, %c0_i32 : i32, i32
  }
  func.func @transform_15(%arg0: i32) -> (i32, i32) {
    %c0_i32 = arith.constant 0 : i32
    %c0_i32_0 = arith.constant 0 : i32
    return %arg0, %c0_i32 : i32, i32
  }
}

module attributes {stable_mosaic.version = 14 : i64} {
  func.func @_attn_body(%arg0: i32, %arg1: i32, %arg2: memref<1x128xf32, #tpu.memory_space<vmem>>, %arg3: memref<2048x128xf32, #tpu.memory_space<vmem>>, %arg4: memref<2048x128xf32, #tpu.memory_space<vmem>>, %arg5: memref<2048x128xf32, #tpu.memory_space<vmem>>, %arg6: memref<1024x128xf32, #tpu.memory_space<vmem>>, %arg7: memref<1024x128xf32, #tpu.memory_space<vmem>>, %arg8: memref<512x128xf32, #tpu.memory_space<vmem>>, %arg9: memref<512x128xf32, #tpu.memory_space<vmem>>, %arg10: memref<2048x128xf32, #tpu.memory_space<vmem>>) attributes {dimension_semantics = [#tpu.dimension_semantics<arbitrary>, #tpu.dimension_semantics<arbitrary>], iteration_bounds = array<i64: 8, 1>, scalar_prefetch = 0 : i64, scratch_operands = 0 : i64, tpu.core_type = #tpu.core_type<tc>, window_params = [{pipeline_mode = #tpu.pipeline_mode<synchronous>, transform_indices = @transform_0, window_bounds = array<i64: 1, 128>}, {transform_indices = @transform_1, window_bounds = array<i64: 2048, 128>}, {transform_indices = @transform_2, window_bounds = array<i64: 2048, 128>}, {transform_indices = @transform_3, window_bounds = array<i64: 2048, 128>}, {transform_indices = @transform_4, window_bounds = array<i64: 1024, 128>}, {transform_indices = @transform_5, window_bounds = array<i64: 1024, 128>}, {transform_indices = @transform_6, window_bounds = array<i64: 512, 128>}, {transform_indices = @transform_7, window_bounds = array<i64: 512, 128>}, {transform_indices = @transform_8, window_bounds = array<i64: 2048, 128>}]} {
    %iota3A = tpu.iota {dimensions = array<i32: 1>} : vector<1x128xi32>
    %lt3A = arith.constant 3 : i32
    %lt3A_0 = vector.broadcast %lt3A : i32 to vector<1x128xi32>
    %lt3A_1 = arith.cmpi slt, %iota3A, %lt3A_0 : vector<1x128xi32>
    %get3A = arith.constant 0 : index
    %get3A_2 = arith.constant 0 : index
    %get3A_3 = vector.load %arg2[%get3A, %get3A_2] : memref<1x128xf32, #tpu.memory_space<vmem>>, vector<1x128xf32>
    %jit3A = arith.constant 0xFF800000 : f32
    %broadcast_in_dim3A = vector.broadcast %jit3A : f32 to vector<1x128xf32>
    %select_n3A = arith.select %lt3A_1, %get3A_3, %broadcast_in_dim3A : vector<1x128xi1>, vector<1x128xf32>
    %reduce_max3A = vector.shape_cast %select_n3A : vector<1x128xf32> to vector<1x1x128xf32>
    %reduce_max3A_4 = arith.constant dense<0xFF800000> : vector<1xf32>
    %reduce_max3A_5 = vector.multi_reduction <maximumf>, %reduce_max3A, %reduce_max3A_4 [1, 2] : vector<1x1x128xf32> to vector<1xf32>
    %reduce_max3A_6 = vector.shape_cast %reduce_max3A_5 : vector<1xf32> to vector<1x1x1xf32>
    %reduce_max3A_7 = vector.extract %reduce_max3A_6[0, 0, 0] : f32 from vector<1x1x1xf32>
    %lt3A_8 = arith.constant 3 : i32
    %lt3A_9 = vector.broadcast %lt3A_8 : i32 to vector<1x128xi32>
    %lt3A_10 = arith.cmpi slt, %iota3A, %lt3A_9 : vector<1x128xi32>
    %sub3A = vector.broadcast %reduce_max3A_7 : f32 to vector<1x128xf32>
    %sub3A_11 = arith.subf %select_n3A, %sub3A : vector<1x128xf32>
    %exp3A = math.exp %sub3A_11 : vector<1x128xf32>
    %jit3A_12 = arith.constant 0.000000e+00 : f32
    %broadcast_in_dim3A_13 = vector.broadcast %jit3A_12 : f32 to vector<1x128xf32>
    %select_n3A_14 = arith.select %lt3A_10, %exp3A, %broadcast_in_dim3A_13 : vector<1x128xi1>, vector<1x128xf32>
    %reduce_sum3A = vector.shape_cast %select_n3A_14 : vector<1x128xf32> to vector<1x1x128xf32>
    %reduce_sum3A_15 = arith.constant dense<0.000000e+00> : vector<1xf32>
    %reduce_sum3A_16 = vector.multi_reduction <add>, %reduce_sum3A, %reduce_sum3A_15 [1, 2] : vector<1x1x128xf32> to vector<1xf32>
    %reduce_sum3A_17 = vector.shape_cast %reduce_sum3A_16 : vector<1xf32> to vector<1x1x1xf32>
    %reduce_sum3A_18 = vector.extract %reduce_sum3A_17[0, 0, 0] : f32 from vector<1x1x1xf32>
    %eq3A = arith.constant 0 : i32
    %eq3A_19 = vector.broadcast %eq3A : i32 to vector<1x128xi32>
    %eq3A_20 = arith.cmpi eq, %iota3A, %eq3A_19 : vector<1x128xi32>
    %jit3A_21 = arith.constant 0.000000e+00 : f32
    %broadcast_in_dim3A_22 = vector.broadcast %jit3A_21 : f32 to vector<1x128xf32>
    %select_n3A_23 = arith.select %eq3A_20, %select_n3A_14, %broadcast_in_dim3A_22 : vector<1x128xi1>, vector<1x128xf32>
    %reduce_sum3A_24 = vector.shape_cast %select_n3A_23 : vector<1x128xf32> to vector<1x1x128xf32>
    %reduce_sum3A_25 = arith.constant dense<0.000000e+00> : vector<1xf32>
    %reduce_sum3A_26 = vector.multi_reduction <add>, %reduce_sum3A_24, %reduce_sum3A_25 [1, 2] : vector<1x1x128xf32> to vector<1xf32>
    %reduce_sum3A_27 = vector.shape_cast %reduce_sum3A_26 : vector<1xf32> to vector<1x1x1xf32>
    %reduce_sum3A_28 = vector.extract %reduce_sum3A_27[0, 0, 0] : f32 from vector<1x1x1xf32>
    %div3A = arith.divf %reduce_sum3A_28, %reduce_sum3A_18 : f32
    %eq3A_29 = arith.constant 1 : i32
    %eq3A_30 = vector.broadcast %eq3A_29 : i32 to vector<1x128xi32>
    %eq3A_31 = arith.cmpi eq, %iota3A, %eq3A_30 : vector<1x128xi32>
    %jit3A_32 = arith.constant 0.000000e+00 : f32
    %broadcast_in_dim3A_33 = vector.broadcast %jit3A_32 : f32 to vector<1x128xf32>
    %select_n3A_34 = arith.select %eq3A_31, %select_n3A_14, %broadcast_in_dim3A_33 : vector<1x128xi1>, vector<1x128xf32>
    %reduce_sum3A_35 = vector.shape_cast %select_n3A_34 : vector<1x128xf32> to vector<1x1x128xf32>
    %reduce_sum3A_36 = arith.constant dense<0.000000e+00> : vector<1xf32>
    %reduce_sum3A_37 = vector.multi_reduction <add>, %reduce_sum3A_35, %reduce_sum3A_36 [1, 2] : vector<1x1x128xf32> to vector<1xf32>
    %reduce_sum3A_38 = vector.shape_cast %reduce_sum3A_37 : vector<1xf32> to vector<1x1x1xf32>
    %reduce_sum3A_39 = vector.extract %reduce_sum3A_38[0, 0, 0] : f32 from vector<1x1x1xf32>
    %div3A_40 = arith.divf %reduce_sum3A_39, %reduce_sum3A_18 : f32
    %eq3A_41 = arith.constant 2 : i32
    %eq3A_42 = vector.broadcast %eq3A_41 : i32 to vector<1x128xi32>
    %eq3A_43 = arith.cmpi eq, %iota3A, %eq3A_42 : vector<1x128xi32>
    %jit3A_44 = arith.constant 0.000000e+00 : f32
    %broadcast_in_dim3A_45 = vector.broadcast %jit3A_44 : f32 to vector<1x128xf32>
    %select_n3A_46 = arith.select %eq3A_43, %select_n3A_14, %broadcast_in_dim3A_45 : vector<1x128xi1>, vector<1x128xf32>
    %reduce_sum3A_47 = vector.shape_cast %select_n3A_46 : vector<1x128xf32> to vector<1x1x128xf32>
    %reduce_sum3A_48 = arith.constant dense<0.000000e+00> : vector<1xf32>
    %reduce_sum3A_49 = vector.multi_reduction <add>, %reduce_sum3A_47, %reduce_sum3A_48 [1, 2] : vector<1x1x128xf32> to vector<1xf32>
    %reduce_sum3A_50 = vector.shape_cast %reduce_sum3A_49 : vector<1xf32> to vector<1x1x1xf32>
    %reduce_sum3A_51 = vector.extract %reduce_sum3A_50[0, 0, 0] : f32 from vector<1x1x1xf32>
    %div3A_52 = arith.divf %reduce_sum3A_51, %reduce_sum3A_18 : f32
    %get3A_53 = arith.constant 0 : index
    %get3A_54 = arith.constant 0 : index
    %get3A_55 = vector.load %arg3[%get3A_53, %get3A_54] : memref<2048x128xf32, #tpu.memory_space<vmem>>, vector<2048x128xf32>
    %get3A_56 = arith.constant 0 : index
    %get3A_57 = arith.constant 0 : index
    %get3A_58 = vector.load %arg4[%get3A_56, %get3A_57] : memref<2048x128xf32, #tpu.memory_space<vmem>>, vector<2048x128xf32>
    %get3A_59 = arith.constant 0 : index
    %get3A_60 = arith.constant 0 : index
    %get3A_61 = vector.load %arg5[%get3A_59, %get3A_60] : memref<2048x128xf32, #tpu.memory_space<vmem>>, vector<2048x128xf32>
    %slice3A = vector.extract_strided_slice %get3A_55 {offsets = [0, 0], sizes = [2048, 64], strides = [1, 1]} : vector<2048x128xf32> to vector<2048x64xf32>
    %slice3A_62 = vector.extract_strided_slice %get3A_58 {offsets = [0, 0], sizes = [2048, 64], strides = [1, 1]} : vector<2048x128xf32> to vector<2048x64xf32>
    %slice3A_63 = vector.extract_strided_slice %get3A_61 {offsets = [0, 0], sizes = [2048, 64], strides = [1, 1]} : vector<2048x128xf32> to vector<2048x64xf32>
    %dot_general3A = arith.constant dense<0.000000e+00> : vector<2048x2048xf32>
    %dot_general3A_64 = tpu.matmul %slice3A, %slice3A_62, %dot_general3A {dimension_numbers = #tpu.dot_dimension_numbers<[1], [1], [0], [0], [0, 0, 1, 0], [], []>, transpose_lhs_hint = false} : vector<2048x64xf32>, vector<2048x64xf32>, vector<2048x2048xf32> -> vector<2048x2048xf32>
    %exp3A_65 = math.exp %dot_general3A_64 : vector<2048x2048xf32>
    %reduce_sum3A_66 = arith.constant dense<0.000000e+00> : vector<2048xf32>
    %reduce_sum3A_67 = vector.multi_reduction <add>, %exp3A_65, %reduce_sum3A_66 [1] : vector<2048x2048xf32> to vector<2048xf32>
    %broadcast_in_dim3A_68 = vector.shape_cast %reduce_sum3A_67 : vector<2048xf32> to vector<2048x1xf32>
    %div3A_69 = arith.constant 1.000000e+00 : f32
    %div3A_70 = vector.broadcast %div3A_69 : f32 to vector<2048x1xf32>
    %div3A_71 = arith.divf %div3A_70, %broadcast_in_dim3A_68 : vector<2048x1xf32>
    %mul3A = vector.broadcast %div3A_71 : vector<2048x1xf32> to vector<2048x2048xf32>
    %mul3A_72 = arith.mulf %exp3A_65, %mul3A : vector<2048x2048xf32>
    %dot_general3A_73 = arith.constant dense<0.000000e+00> : vector<2048x64xf32>
    %dot_general3A_74 = tpu.matmul %mul3A_72, %slice3A_63, %dot_general3A_73 {dimension_numbers = #tpu.dot_dimension_numbers<[1], [0], [0], [1], [0, 0, 1, 1], [], []>, transpose_lhs_hint = false} : vector<2048x2048xf32>, vector<2048x64xf32>, vector<2048x64xf32> -> vector<2048x64xf32>
    %slice3A_75 = vector.extract_strided_slice %get3A_55 {offsets = [0, 64], sizes = [2048, 64], strides = [1, 1]} : vector<2048x128xf32> to vector<2048x64xf32>
    %slice3A_76 = vector.extract_strided_slice %get3A_58 {offsets = [0, 64], sizes = [2048, 64], strides = [1, 1]} : vector<2048x128xf32> to vector<2048x64xf32>
    %slice3A_77 = vector.extract_strided_slice %get3A_61 {offsets = [0, 64], sizes = [2048, 64], strides = [1, 1]} : vector<2048x128xf32> to vector<2048x64xf32>
    %dot_general3A_78 = arith.constant dense<0.000000e+00> : vector<2048x2048xf32>
    %dot_general3A_79 = tpu.matmul %slice3A_75, %slice3A_76, %dot_general3A_78 {dimension_numbers = #tpu.dot_dimension_numbers<[1], [1], [0], [0], [0, 0, 1, 0], [], []>, transpose_lhs_hint = false} : vector<2048x64xf32>, vector<2048x64xf32>, vector<2048x2048xf32> -> vector<2048x2048xf32>
    %exp3A_80 = math.exp %dot_general3A_79 : vector<2048x2048xf32>
    %reduce_sum3A_81 = arith.constant dense<0.000000e+00> : vector<2048xf32>
    %reduce_sum3A_82 = vector.multi_reduction <add>, %exp3A_80, %reduce_sum3A_81 [1] : vector<2048x2048xf32> to vector<2048xf32>
    %broadcast_in_dim3A_83 = vector.shape_cast %reduce_sum3A_82 : vector<2048xf32> to vector<2048x1xf32>
    %div3A_84 = arith.constant 1.000000e+00 : f32
    %div3A_85 = vector.broadcast %div3A_84 : f32 to vector<2048x1xf32>
    %div3A_86 = arith.divf %div3A_85, %broadcast_in_dim3A_83 : vector<2048x1xf32>
    %mul3A_87 = vector.broadcast %div3A_86 : vector<2048x1xf32> to vector<2048x2048xf32>
    %mul3A_88 = arith.mulf %exp3A_80, %mul3A_87 : vector<2048x2048xf32>
    %dot_general3A_89 = arith.constant dense<0.000000e+00> : vector<2048x64xf32>
    %dot_general3A_90 = tpu.matmul %mul3A_88, %slice3A_77, %dot_general3A_89 {dimension_numbers = #tpu.dot_dimension_numbers<[1], [0], [0], [1], [0, 0, 1, 1], [], []>, transpose_lhs_hint = false} : vector<2048x2048xf32>, vector<2048x64xf32>, vector<2048x64xf32> -> vector<2048x64xf32>
    %concatenate3A = tpu.concatenate %dot_general3A_74, %dot_general3A_90 in 1 : vector<2048x64xf32>, vector<2048x64xf32> -> vector<2048x128xf32>
    %mul3A_91 = vector.broadcast %div3A : f32 to vector<2048x128xf32>
    %mul3A_92 = arith.mulf %mul3A_91, %concatenate3A : vector<2048x128xf32>
    %get3A_93 = arith.constant 0 : index
    %get3A_94 = arith.constant 0 : index
    %get3A_95 = vector.load %arg6[%get3A_93, %get3A_94] : memref<1024x128xf32, #tpu.memory_space<vmem>>, vector<1024x128xf32>
    %get3A_96 = arith.constant 0 : index
    %get3A_97 = arith.constant 0 : index
    %get3A_98 = vector.load %arg7[%get3A_96, %get3A_97] : memref<1024x128xf32, #tpu.memory_space<vmem>>, vector<1024x128xf32>
    %slice3A_99 = vector.extract_strided_slice %get3A_55 {offsets = [0, 0], sizes = [2048, 64], strides = [1, 1]} : vector<2048x128xf32> to vector<2048x64xf32>
    %slice3A_100 = vector.extract_strided_slice %get3A_95 {offsets = [0, 0], sizes = [1024, 64], strides = [1, 1]} : vector<1024x128xf32> to vector<1024x64xf32>
    %slice3A_101 = vector.extract_strided_slice %get3A_98 {offsets = [0, 0], sizes = [1024, 64], strides = [1, 1]} : vector<1024x128xf32> to vector<1024x64xf32>
    %dot_general3A_102 = arith.constant dense<0.000000e+00> : vector<2048x1024xf32>
    %dot_general3A_103 = tpu.matmul %slice3A_99, %slice3A_100, %dot_general3A_102 {dimension_numbers = #tpu.dot_dimension_numbers<[1], [1], [0], [0], [0, 0, 1, 0], [], []>, transpose_lhs_hint = false} : vector<2048x64xf32>, vector<1024x64xf32>, vector<2048x1024xf32> -> vector<2048x1024xf32>
    %exp3A_104 = math.exp %dot_general3A_103 : vector<2048x1024xf32>
    %reduce_sum3A_105 = arith.constant dense<0.000000e+00> : vector<2048xf32>
    %reduce_sum3A_106 = vector.multi_reduction <add>, %exp3A_104, %reduce_sum3A_105 [1] : vector<2048x1024xf32> to vector<2048xf32>
    %broadcast_in_dim3A_107 = vector.shape_cast %reduce_sum3A_106 : vector<2048xf32> to vector<2048x1xf32>
    %div3A_108 = arith.constant 1.000000e+00 : f32
    %div3A_109 = vector.broadcast %div3A_108 : f32 to vector<2048x1xf32>
    %div3A_110 = arith.divf %div3A_109, %broadcast_in_dim3A_107 : vector<2048x1xf32>
    %mul3A_111 = vector.broadcast %div3A_110 : vector<2048x1xf32> to vector<2048x1024xf32>
    %mul3A_112 = arith.mulf %exp3A_104, %mul3A_111 : vector<2048x1024xf32>
    %dot_general3A_113 = arith.constant dense<0.000000e+00> : vector<2048x64xf32>
    %dot_general3A_114 = tpu.matmul %mul3A_112, %slice3A_101, %dot_general3A_113 {dimension_numbers = #tpu.dot_dimension_numbers<[1], [0], [0], [1], [0, 0, 1, 1], [], []>, transpose_lhs_hint = false} : vector<2048x1024xf32>, vector<1024x64xf32>, vector<2048x64xf32> -> vector<2048x64xf32>
    %slice3A_115 = vector.extract_strided_slice %get3A_55 {offsets = [0, 64], sizes = [2048, 64], strides = [1, 1]} : vector<2048x128xf32> to vector<2048x64xf32>
    %slice3A_116 = vector.extract_strided_slice %get3A_95 {offsets = [0, 64], sizes = [1024, 64], strides = [1, 1]} : vector<1024x128xf32> to vector<1024x64xf32>
    %slice3A_117 = vector.extract_strided_slice %get3A_98 {offsets = [0, 64], sizes = [1024, 64], strides = [1, 1]} : vector<1024x128xf32> to vector<1024x64xf32>
    %dot_general3A_118 = arith.constant dense<0.000000e+00> : vector<2048x1024xf32>
    %dot_general3A_119 = tpu.matmul %slice3A_115, %slice3A_116, %dot_general3A_118 {dimension_numbers = #tpu.dot_dimension_numbers<[1], [1], [0], [0], [0, 0, 1, 0], [], []>, transpose_lhs_hint = false} : vector<2048x64xf32>, vector<1024x64xf32>, vector<2048x1024xf32> -> vector<2048x1024xf32>
    %exp3A_120 = math.exp %dot_general3A_119 : vector<2048x1024xf32>
    %reduce_sum3A_121 = arith.constant dense<0.000000e+00> : vector<2048xf32>
    %reduce_sum3A_122 = vector.multi_reduction <add>, %exp3A_120, %reduce_sum3A_121 [1] : vector<2048x1024xf32> to vector<2048xf32>
    %broadcast_in_dim3A_123 = vector.shape_cast %reduce_sum3A_122 : vector<2048xf32> to vector<2048x1xf32>
    %div3A_124 = arith.constant 1.000000e+00 : f32
    %div3A_125 = vector.broadcast %div3A_124 : f32 to vector<2048x1xf32>
    %div3A_126 = arith.divf %div3A_125, %broadcast_in_dim3A_123 : vector<2048x1xf32>
    %mul3A_127 = vector.broadcast %div3A_126 : vector<2048x1xf32> to vector<2048x1024xf32>
    %mul3A_128 = arith.mulf %exp3A_120, %mul3A_127 : vector<2048x1024xf32>
    %dot_general3A_129 = arith.constant dense<0.000000e+00> : vector<2048x64xf32>
    %dot_general3A_130 = tpu.matmul %mul3A_128, %slice3A_117, %dot_general3A_129 {dimension_numbers = #tpu.dot_dimension_numbers<[1], [0], [0], [1], [0, 0, 1, 1], [], []>, transpose_lhs_hint = false} : vector<2048x1024xf32>, vector<1024x64xf32>, vector<2048x64xf32> -> vector<2048x64xf32>
    %concatenate3A_131 = tpu.concatenate %dot_general3A_114, %dot_general3A_130 in 1 : vector<2048x64xf32>, vector<2048x64xf32> -> vector<2048x128xf32>
    %mul3A_132 = vector.broadcast %div3A_40 : f32 to vector<2048x128xf32>
    %mul3A_133 = arith.mulf %mul3A_132, %concatenate3A_131 : vector<2048x128xf32>
    %add3A = arith.addf %mul3A_92, %mul3A_133 : vector<2048x128xf32>
    %get3A_134 = arith.constant 0 : index
    %get3A_135 = arith.constant 0 : index
    %get3A_136 = vector.load %arg8[%get3A_134, %get3A_135] : memref<512x128xf32, #tpu.memory_space<vmem>>, vector<512x128xf32>
    %get3A_137 = arith.constant 0 : index
    %get3A_138 = arith.constant 0 : index
    %get3A_139 = vector.load %arg9[%get3A_137, %get3A_138] : memref<512x128xf32, #tpu.memory_space<vmem>>, vector<512x128xf32>
    %slice3A_140 = vector.extract_strided_slice %get3A_55 {offsets = [0, 0], sizes = [2048, 64], strides = [1, 1]} : vector<2048x128xf32> to vector<2048x64xf32>
    %slice3A_141 = vector.extract_strided_slice %get3A_136 {offsets = [0, 0], sizes = [512, 64], strides = [1, 1]} : vector<512x128xf32> to vector<512x64xf32>
    %slice3A_142 = vector.extract_strided_slice %get3A_139 {offsets = [0, 0], sizes = [512, 64], strides = [1, 1]} : vector<512x128xf32> to vector<512x64xf32>
    %dot_general3A_143 = arith.constant dense<0.000000e+00> : vector<2048x512xf32>
    %dot_general3A_144 = tpu.matmul %slice3A_140, %slice3A_141, %dot_general3A_143 {dimension_numbers = #tpu.dot_dimension_numbers<[1], [1], [0], [0], [0, 0, 1, 0], [], []>, transpose_lhs_hint = false} : vector<2048x64xf32>, vector<512x64xf32>, vector<2048x512xf32> -> vector<2048x512xf32>
    %exp3A_145 = math.exp %dot_general3A_144 : vector<2048x512xf32>
    %reduce_sum3A_146 = arith.constant dense<0.000000e+00> : vector<2048xf32>
    %reduce_sum3A_147 = vector.multi_reduction <add>, %exp3A_145, %reduce_sum3A_146 [1] : vector<2048x512xf32> to vector<2048xf32>
    %broadcast_in_dim3A_148 = vector.shape_cast %reduce_sum3A_147 : vector<2048xf32> to vector<2048x1xf32>
    %div3A_149 = arith.constant 1.000000e+00 : f32
    %div3A_150 = vector.broadcast %div3A_149 : f32 to vector<2048x1xf32>
    %div3A_151 = arith.divf %div3A_150, %broadcast_in_dim3A_148 : vector<2048x1xf32>
    %mul3A_152 = vector.broadcast %div3A_151 : vector<2048x1xf32> to vector<2048x512xf32>
    %mul3A_153 = arith.mulf %exp3A_145, %mul3A_152 : vector<2048x512xf32>
    %dot_general3A_154 = arith.constant dense<0.000000e+00> : vector<2048x64xf32>
    %dot_general3A_155 = tpu.matmul %mul3A_153, %slice3A_142, %dot_general3A_154 {dimension_numbers = #tpu.dot_dimension_numbers<[1], [0], [0], [1], [0, 0, 1, 1], [], []>, transpose_lhs_hint = false} : vector<2048x512xf32>, vector<512x64xf32>, vector<2048x64xf32> -> vector<2048x64xf32>
    %slice3A_156 = vector.extract_strided_slice %get3A_55 {offsets = [0, 64], sizes = [2048, 64], strides = [1, 1]} : vector<2048x128xf32> to vector<2048x64xf32>
    %slice3A_157 = vector.extract_strided_slice %get3A_136 {offsets = [0, 64], sizes = [512, 64], strides = [1, 1]} : vector<512x128xf32> to vector<512x64xf32>
    %slice3A_158 = vector.extract_strided_slice %get3A_139 {offsets = [0, 64], sizes = [512, 64], strides = [1, 1]} : vector<512x128xf32> to vector<512x64xf32>
    %dot_general3A_159 = arith.constant dense<0.000000e+00> : vector<2048x512xf32>
    %dot_general3A_160 = tpu.matmul %slice3A_156, %slice3A_157, %dot_general3A_159 {dimension_numbers = #tpu.dot_dimension_numbers<[1], [1], [0], [0], [0, 0, 1, 0], [], []>, transpose_lhs_hint = false} : vector<2048x64xf32>, vector<512x64xf32>, vector<2048x512xf32> -> vector<2048x512xf32>
    %exp3A_161 = math.exp %dot_general3A_160 : vector<2048x512xf32>
    %reduce_sum3A_162 = arith.constant dense<0.000000e+00> : vector<2048xf32>
    %reduce_sum3A_163 = vector.multi_reduction <add>, %exp3A_161, %reduce_sum3A_162 [1] : vector<2048x512xf32> to vector<2048xf32>
    %broadcast_in_dim3A_164 = vector.shape_cast %reduce_sum3A_163 : vector<2048xf32> to vector<2048x1xf32>
    %div3A_165 = arith.constant 1.000000e+00 : f32
    %div3A_166 = vector.broadcast %div3A_165 : f32 to vector<2048x1xf32>
    %div3A_167 = arith.divf %div3A_166, %broadcast_in_dim3A_164 : vector<2048x1xf32>
    %mul3A_168 = vector.broadcast %div3A_167 : vector<2048x1xf32> to vector<2048x512xf32>
    %mul3A_169 = arith.mulf %exp3A_161, %mul3A_168 : vector<2048x512xf32>
    %dot_general3A_170 = arith.constant dense<0.000000e+00> : vector<2048x64xf32>
    %dot_general3A_171 = tpu.matmul %mul3A_169, %slice3A_158, %dot_general3A_170 {dimension_numbers = #tpu.dot_dimension_numbers<[1], [0], [0], [1], [0, 0, 1, 1], [], []>, transpose_lhs_hint = false} : vector<2048x512xf32>, vector<512x64xf32>, vector<2048x64xf32> -> vector<2048x64xf32>
    %concatenate3A_172 = tpu.concatenate %dot_general3A_155, %dot_general3A_171 in 1 : vector<2048x64xf32>, vector<2048x64xf32> -> vector<2048x128xf32>
    %mul3A_173 = vector.broadcast %div3A_52 : f32 to vector<2048x128xf32>
    %mul3A_174 = arith.mulf %mul3A_173, %concatenate3A_172 : vector<2048x128xf32>
    %add3A_175 = arith.addf %add3A, %mul3A_174 : vector<2048x128xf32>
    %swap3A = arith.constant 0 : index
    %swap3A_176 = arith.constant 0 : index
    %swap3A_177 = vector.load %arg10[%swap3A, %swap3A_176] : memref<2048x128xf32, #tpu.memory_space<vmem>>, vector<2048x128xf32>
    tpu.vector_store %arg10[%swap3A, %swap3A_176], %add3A_175 {strides = array<i32>} : memref<2048x128xf32, #tpu.memory_space<vmem>>, vector<2048x128xf32>,
    return
  }
  func.func @transform_0(%arg0: i32, %arg1: i32) -> (i32, i32) {
    %c0_i32 = arith.constant 0 : i32
    %c0_i32_0 = arith.constant 0 : i32
    %c0_i32_1 = arith.constant 0 : i32
    return %c0_i32, %c0_i32_0 : i32, i32
  }
  func.func @transform_1(%arg0: i32, %arg1: i32) -> (i32, i32) {
    %c0_i32 = arith.constant 0 : i32
    return %arg1, %arg0 : i32, i32
  }
  func.func @transform_2(%arg0: i32, %arg1: i32) -> (i32, i32) {
    %c0_i32 = arith.constant 0 : i32
    %c0_i32_0 = arith.constant 0 : i32
    return %c0_i32, %arg0 : i32, i32
  }
  func.func @transform_3(%arg0: i32, %arg1: i32) -> (i32, i32) {
    %c0_i32 = arith.constant 0 : i32
    %c0_i32_0 = arith.constant 0 : i32
    return %c0_i32, %arg0 : i32, i32
  }
  func.func @transform_4(%arg0: i32, %arg1: i32) -> (i32, i32) {
    %c0_i32 = arith.constant 0 : i32
    %c0_i32_0 = arith.constant 0 : i32
    return %c0_i32, %arg0 : i32, i32
  }
  func.func @transform_5(%arg0: i32, %arg1: i32) -> (i32, i32) {
    %c0_i32 = arith.constant 0 : i32
    %c0_i32_0 = arith.constant 0 : i32
    return %c0_i32, %arg0 : i32, i32
  }
  func.func @transform_6(%arg0: i32, %arg1: i32) -> (i32, i32) {
    %c0_i32 = arith.constant 0 : i32
    %c0_i32_0 = arith.constant 0 : i32
    return %c0_i32, %arg0 : i32, i32
  }
  func.func @transform_7(%arg0: i32, %arg1: i32) -> (i32, i32) {
    %c0_i32 = arith.constant 0 : i32
    %c0_i32_0 = arith.constant 0 : i32
    return %c0_i32, %arg0 : i32, i32
  }
  func.func @transform_8(%arg0: i32, %arg1: i32) -> (i32, i32) {
    %c0_i32 = arith.constant 0 : i32
    return %arg1, %arg0 : i32, i32
  }
}

module attributes {stable_mosaic.version = 14 : i64} {
  func.func @_proj_body(%arg0: i32, %arg1: memref<256x1024xf32, #tpu.memory_space<vmem>>, %arg2: memref<256x1024xf32, #tpu.memory_space<vmem>>, %arg3: memref<1024x1024xf32, #tpu.memory_space<vmem>>, %arg4: memref<1x1024xf32, #tpu.memory_space<vmem>>, %arg5: memref<1x1024xf32, #tpu.memory_space<vmem>>, %arg6: memref<1x1024xf32, #tpu.memory_space<vmem>>, %arg7: memref<1024x128xf32, #tpu.memory_space<vmem>>, %arg8: memref<256x1024xf32, #tpu.memory_space<vmem>>, %arg9: memref<256x1024xf32, #tpu.memory_space<vmem>>, %arg10: memref<1x1x256xi32, #tpu.memory_space<vmem>>, %arg11: memref<1x1x256xi32, #tpu.memory_space<vmem>>, %arg12: memref<1x1x256xf32, #tpu.memory_space<vmem>>, %arg13: memref<1x128xf32, #tpu.memory_space<vmem>>) attributes {dimension_semantics = [#tpu.dimension_semantics<arbitrary>], iteration_bounds = array<i64: 8>, scalar_prefetch = 0 : i64, scratch_operands = 1 : i64, tpu.core_type = #tpu.core_type<tc>, window_params = [{transform_indices = @transform_0, window_bounds = array<i64: 256, 1024>}, {transform_indices = @transform_1, window_bounds = array<i64: 256, 1024>}, {pipeline_mode = #tpu.pipeline_mode<synchronous>, transform_indices = @transform_2, window_bounds = array<i64: 1024, 1024>}, {pipeline_mode = #tpu.pipeline_mode<synchronous>, transform_indices = @transform_3, window_bounds = array<i64: 1, 1024>}, {pipeline_mode = #tpu.pipeline_mode<synchronous>, transform_indices = @transform_4, window_bounds = array<i64: 1, 1024>}, {pipeline_mode = #tpu.pipeline_mode<synchronous>, transform_indices = @transform_5, window_bounds = array<i64: 1, 1024>}, {pipeline_mode = #tpu.pipeline_mode<synchronous>, transform_indices = @transform_6, window_bounds = array<i64: 1024, 128>}, {transform_indices = @transform_7, window_bounds = array<i64: 256, 1024>}, {transform_indices = @transform_8, window_bounds = array<i64: 256, 1024>}, {transform_indices = @transform_9, window_bounds = array<i64: 1, 1, 256>}, {transform_indices = @transform_10, window_bounds = array<i64: 1, 1, 256>}, {transform_indices = @transform_11, window_bounds = array<i64: 1, 1, 256>}]} {
    %eq3A = arith.constant 0 : i32
    %eq3A_0 = arith.cmpi eq, %arg0, %eq3A : i32
    %convert_element_type3A = arith.extui %eq3A_0 : i1 to i32
    %cond3A = arith.constant 0 : i32
    %cond3A_1 = arith.cmpi ne, %convert_element_type3A, %cond3A : i32
    scf.if %cond3A_1 {
      %broadcast_in_dim3A_147 = arith.constant 0.000000e+00 : f32
      %broadcast_in_dim3A_148 = vector.broadcast %broadcast_in_dim3A_147 : f32 to vector<1x128xf32>
      %swap3A_149 = arith.constant 0 : index
      %swap3A_150 = arith.constant 0 : index
      %swap3A_151 = vector.load %arg13[%swap3A_149, %swap3A_150] : memref<1x128xf32, #tpu.memory_space<vmem>>, vector<1x128xf32>
      tpu.vector_store %arg13[%swap3A_149, %swap3A_150], %broadcast_in_dim3A_148 {strides = array<i32>} : memref<1x128xf32, #tpu.memory_space<vmem>>, vector<1x128xf32>,
    } else {
    }
    %get3A = arith.constant 0 : index
    %get3A_2 = arith.constant 0 : index
    %get3A_3 = vector.load %arg1[%get3A, %get3A_2] : memref<256x1024xf32, #tpu.memory_space<vmem>>, vector<256x1024xf32>
    %get3A_4 = arith.constant 0 : index
    %get3A_5 = arith.constant 0 : index
    %get3A_6 = vector.load %arg3[%get3A_4, %get3A_5] : memref<1024x1024xf32, #tpu.memory_space<vmem>>, vector<1024x1024xf32>
    %dot_general3A = arith.constant dense<0.000000e+00> : vector<256x1024xf32>
    %dot_general3A_7 = tpu.matmul %get3A_3, %get3A_6, %dot_general3A {dimension_numbers = #tpu.dot_dimension_numbers<[1], [0], [0], [1], [0, 0, 1, 1], [], []>, transpose_lhs_hint = false} : vector<256x1024xf32>, vector<1024x1024xf32>, vector<256x1024xf32> -> vector<256x1024xf32>
    %get3A_8 = arith.constant 0 : index
    %get3A_9 = arith.constant 0 : index
    %get3A_10 = vector.load %arg4[%get3A_8, %get3A_9] : memref<1x1024xf32, #tpu.memory_space<vmem>>, vector<1x1024xf32>
    %add3A = vector.broadcast %get3A_10 : vector<1x1024xf32> to vector<256x1024xf32>
    %add3A_11 = arith.addf %dot_general3A_7, %add3A : vector<256x1024xf32>
    %get3A_12 = arith.constant 0 : index
    %get3A_13 = arith.constant 0 : index
    %get3A_14 = vector.load %arg2[%get3A_12, %get3A_13] : memref<256x1024xf32, #tpu.memory_space<vmem>>, vector<256x1024xf32>
    %add3A_15 = arith.addf %add3A_11, %get3A_14 : vector<256x1024xf32>
    %swap3A = arith.constant 0 : index
    %swap3A_16 = arith.constant 0 : index
    %swap3A_17 = vector.load %arg8[%swap3A, %swap3A_16] : memref<256x1024xf32, #tpu.memory_space<vmem>>, vector<256x1024xf32>
    tpu.vector_store %arg8[%swap3A, %swap3A_16], %add3A_15 {strides = array<i32>} : memref<256x1024xf32, #tpu.memory_space<vmem>>, vector<256x1024xf32>,
    %reduce_sum3A = arith.constant dense<0.000000e+00> : vector<256xf32>
    %reduce_sum3A_18 = vector.multi_reduction <add>, %add3A_15, %reduce_sum3A [1] : vector<256x1024xf32> to vector<256xf32>
    %broadcast_in_dim3A = vector.shape_cast %reduce_sum3A_18 : vector<256xf32> to vector<256x1xf32>
    %div3A = arith.constant 1.024000e+03 : f32
    %div3A_19 = vector.broadcast %div3A : f32 to vector<256x1xf32>
    %div3A_20 = arith.divf %broadcast_in_dim3A, %div3A_19 : vector<256x1xf32>
    %sub3A = vector.broadcast %div3A_20 : vector<256x1xf32> to vector<256x1024xf32>
    %sub3A_21 = arith.subf %add3A_15, %sub3A : vector<256x1024xf32>
    %mul3A = arith.mulf %sub3A_21, %sub3A_21 : vector<256x1024xf32>
    %reduce_sum3A_22 = arith.constant dense<0.000000e+00> : vector<256xf32>
    %reduce_sum3A_23 = vector.multi_reduction <add>, %mul3A, %reduce_sum3A_22 [1] : vector<256x1024xf32> to vector<256xf32>
    %broadcast_in_dim3A_24 = vector.shape_cast %reduce_sum3A_23 : vector<256xf32> to vector<256x1xf32>
    %div3A_25 = arith.constant 1.024000e+03 : f32
    %div3A_26 = vector.broadcast %div3A_25 : f32 to vector<256x1xf32>
    %div3A_27 = arith.divf %broadcast_in_dim3A_24, %div3A_26 : vector<256x1xf32>
    %add3A_28 = arith.constant 9.99999974E-6 : f32
    %add3A_29 = vector.broadcast %add3A_28 : f32 to vector<256x1xf32>
    %add3A_30 = arith.addf %div3A_27, %add3A_29 : vector<256x1xf32>
    %sqrt3A = math.sqrt %add3A_30 : vector<256x1xf32>
    %div3A_31 = vector.broadcast %sqrt3A : vector<256x1xf32> to vector<256x1024xf32>
    %div3A_32 = arith.divf %sub3A_21, %div3A_31 : vector<256x1024xf32>
    %get3A_33 = arith.constant 0 : index
    %get3A_34 = arith.constant 0 : index
    %get3A_35 = vector.load %arg5[%get3A_33, %get3A_34] : memref<1x1024xf32, #tpu.memory_space<vmem>>, vector<1x1024xf32>
    %mul3A_36 = vector.broadcast %get3A_35 : vector<1x1024xf32> to vector<256x1024xf32>
    %mul3A_37 = arith.mulf %div3A_32, %mul3A_36 : vector<256x1024xf32>
    %get3A_38 = arith.constant 0 : index
    %get3A_39 = arith.constant 0 : index
    %get3A_40 = vector.load %arg6[%get3A_38, %get3A_39] : memref<1x1024xf32, #tpu.memory_space<vmem>>, vector<1x1024xf32>
    %add3A_41 = vector.broadcast %get3A_40 : vector<1x1024xf32> to vector<256x1024xf32>
    %add3A_42 = arith.addf %mul3A_37, %add3A_41 : vector<256x1024xf32>
    %swap3A_43 = arith.constant 0 : index
    %swap3A_44 = arith.constant 0 : index
    %swap3A_45 = vector.load %arg9[%swap3A_43, %swap3A_44] : memref<256x1024xf32, #tpu.memory_space<vmem>>, vector<256x1024xf32>
    tpu.vector_store %arg9[%swap3A_43, %swap3A_44], %add3A_42 {strides = array<i32>} : memref<256x1024xf32, #tpu.memory_space<vmem>>, vector<256x1024xf32>,
    %get3A_46 = arith.constant 0 : index
    %get3A_47 = arith.constant 0 : index
    %get3A_48 = vector.load %arg7[%get3A_46, %get3A_47] : memref<1024x128xf32, #tpu.memory_space<vmem>>, vector<1024x128xf32>
    %dot_general3A_49 = arith.constant dense<0.000000e+00> : vector<256x128xf32>
    %dot_general3A_50 = tpu.matmul %add3A_42, %get3A_48, %dot_general3A_49 {dimension_numbers = #tpu.dot_dimension_numbers<[1], [0], [0], [1], [0, 0, 1, 1], [], []>, transpose_lhs_hint = false} : vector<256x1024xf32>, vector<1024x128xf32>, vector<256x128xf32> -> vector<256x128xf32>
    %iota3A = tpu.iota {dimensions = array<i32: 1>} : vector<256x128xi32>
    %lt3A = arith.constant 8 : i32
    %lt3A_51 = vector.broadcast %lt3A : i32 to vector<256x128xi32>
    %lt3A_52 = arith.cmpi slt, %iota3A, %lt3A_51 : vector<256x128xi32>
    %jit3A = arith.constant 0xFF800000 : f32
    %broadcast_in_dim3A_53 = vector.broadcast %jit3A : f32 to vector<256x128xf32>
    %select_n3A = arith.select %lt3A_52, %dot_general3A_50, %broadcast_in_dim3A_53 : vector<256x128xi1>, vector<256x128xf32>
    %reduce_max3A = arith.constant dense<0xFF800000> : vector<256xf32>
    %reduce_max3A_54 = vector.multi_reduction <maximumf>, %select_n3A, %reduce_max3A [1] : vector<256x128xf32> to vector<256xf32>
    %broadcast_in_dim3A_55 = vector.shape_cast %reduce_max3A_54 : vector<256xf32> to vector<256x1xf32>
    %lt3A_56 = arith.constant 8 : i32
    %lt3A_57 = vector.broadcast %lt3A_56 : i32 to vector<256x128xi32>
    %lt3A_58 = arith.cmpi slt, %iota3A, %lt3A_57 : vector<256x128xi32>
    %sub3A_59 = vector.broadcast %broadcast_in_dim3A_55 : vector<256x1xf32> to vector<256x128xf32>
    %sub3A_60 = arith.subf %select_n3A, %sub3A_59 : vector<256x128xf32>
    %exp3A = math.exp %sub3A_60 : vector<256x128xf32>
    %jit3A_61 = arith.constant 0.000000e+00 : f32
    %broadcast_in_dim3A_62 = vector.broadcast %jit3A_61 : f32 to vector<256x128xf32>
    %select_n3A_63 = arith.select %lt3A_58, %exp3A, %broadcast_in_dim3A_62 : vector<256x128xi1>, vector<256x128xf32>
    %reduce_sum3A_64 = arith.constant dense<0.000000e+00> : vector<256xf32>
    %reduce_sum3A_65 = vector.multi_reduction <add>, %select_n3A_63, %reduce_sum3A_64 [1] : vector<256x128xf32> to vector<256xf32>
    %div3A_66 = arith.constant 1.000000e+00 : f32
    %div3A_67 = vector.broadcast %div3A_66 : f32 to vector<256xf32>
    %div3A_68 = arith.divf %div3A_67, %reduce_sum3A_65 : vector<256xf32>
    %eq3A_69 = vector.broadcast %broadcast_in_dim3A_55 : vector<256x1xf32> to vector<256x128xf32>
    %eq3A_70 = arith.cmpf oeq, %select_n3A, %eq3A_69 : vector<256x128xf32>
    %jit3A_71 = arith.constant 127 : i32
    %broadcast_in_dim3A_72 = vector.broadcast %jit3A_71 : i32 to vector<256x128xi32>
    %select_n3A_73 = arith.select %eq3A_70, %iota3A, %broadcast_in_dim3A_72 : vector<256x128xi1>, vector<256x128xi32>
    %reduce_min3A = arith.constant dense<2147483647> : vector<256xi32>
    %reduce_min3A_74 = vector.multi_reduction <minsi>, %select_n3A_73, %reduce_min3A [1] : vector<256x128xi32> to vector<256xi32>
    %broadcast_in_dim3A_75 = vector.shape_cast %reduce_min3A_74 : vector<256xi32> to vector<256x1xi32>
    %eq3A_76 = vector.broadcast %broadcast_in_dim3A_75 : vector<256x1xi32> to vector<256x128xi32>
    %eq3A_77 = arith.cmpi eq, %iota3A, %eq3A_76 : vector<256x128xi32>
    %convert_element_type3A_78 = arith.extui %eq3A_77 : vector<256x128xi1> to vector<256x128xi32>
    %convert_element_type3A_79 = arith.sitofp %convert_element_type3A_78 : vector<256x128xi32> to vector<256x128xf32>
    %iota3A_80 = tpu.iota {dimensions = array<i32: 0>} : vector<256x256xi32>
    %iota3A_81 = tpu.iota {dimensions = array<i32: 1>} : vector<256x256xi32>
    %le3A = arith.cmpi sle, %iota3A_81, %iota3A_80 : vector<256x256xi32>
    %jit3A_82 = arith.constant 1.000000e+00 : f32
    %jit3A_83 = arith.constant 0.000000e+00 : f32
    %broadcast_in_dim3A_84 = vector.broadcast %jit3A_82 : f32 to vector<256x256xf32>
    %broadcast_in_dim3A_85 = vector.broadcast %jit3A_83 : f32 to vector<256x256xf32>
    %select_n3A_86 = arith.select %le3A, %broadcast_in_dim3A_84, %broadcast_in_dim3A_85 : vector<256x256xi1>, vector<256x256xf32>
    %dot_general3A_87 = arith.constant dense<0.000000e+00> : vector<256x128xf32>
    %dot_general3A_88 = tpu.matmul %select_n3A_86, %convert_element_type3A_79, %dot_general3A_87 {dimension_numbers = #tpu.dot_dimension_numbers<[1], [0], [0], [1], [0, 0, 1, 1], [], []>, transpose_lhs_hint = false} : vector<256x256xf32>, vector<256x128xf32>, vector<256x128xf32> -> vector<256x128xf32>
    %get3A_89 = arith.constant 0 : index
    %get3A_90 = arith.constant 0 : index
    %get3A_91 = vector.load %arg13[%get3A_89, %get3A_90] : memref<1x128xf32, #tpu.memory_space<vmem>>, vector<1x128xf32>
    %add3A_92 = vector.broadcast %get3A_91 : vector<1x128xf32> to vector<256x128xf32>
    %add3A_93 = arith.addf %dot_general3A_88, %add3A_92 : vector<256x128xf32>
    %sub3A_94 = arith.constant 1.000000e+00 : f32
    %sub3A_95 = vector.broadcast %sub3A_94 : f32 to vector<256x128xf32>
    %sub3A_96 = arith.subf %add3A_93, %sub3A_95 : vector<256x128xf32>
    %mul3A_97 = arith.mulf %sub3A_96, %convert_element_type3A_79 : vector<256x128xf32>
    %reduce_sum3A_98 = arith.constant dense<0.000000e+00> : vector<256xf32>
    %reduce_sum3A_99 = vector.multi_reduction <add>, %mul3A_97, %reduce_sum3A_98 [1] : vector<256x128xf32> to vector<256xf32>
    %get3A_100 = arith.constant 0 : index
    %get3A_101 = arith.constant 0 : index
    %get3A_102 = vector.load %arg13[%get3A_100, %get3A_101] : memref<1x128xf32, #tpu.memory_space<vmem>>, vector<1x128xf32>
    %reduce_sum3A_103 = arith.constant dense<0.000000e+00> : vector<128xf32>
    %reduce_sum3A_104 = vector.multi_reduction <add>, %convert_element_type3A_79, %reduce_sum3A_103 [0] : vector<256x128xf32> to vector<128xf32>
    %broadcast_in_dim3A_105 = vector.shape_cast %reduce_sum3A_104 : vector<128xf32> to vector<1x128xf32>
    %add3A_106 = arith.addf %get3A_102, %broadcast_in_dim3A_105 : vector<1x128xf32>
    %swap3A_107 = arith.constant 0 : index
    %swap3A_108 = arith.constant 0 : index
    %swap3A_109 = vector.load %arg13[%swap3A_107, %swap3A_108] : memref<1x128xf32, #tpu.memory_space<vmem>>, vector<1x128xf32>
    tpu.vector_store %arg13[%swap3A_107, %swap3A_108], %add3A_106 {strides = array<i32>} : memref<1x128xf32, #tpu.memory_space<vmem>>, vector<1x128xf32>,
    %lt3A_110 = arith.constant 3.200000e+02 : f32
    %lt3A_111 = vector.broadcast %lt3A_110 : f32 to vector<256xf32>
    %lt3A_112 = arith.cmpf olt, %reduce_sum3A_99, %lt3A_111 : vector<256xf32>
    %convert_element_type3A_113 = arith.sitofp %reduce_min3A_74 : vector<256xi32> to vector<256xf32>
    %mul3A_114 = arith.constant 3.200000e+02 : f32
    %mul3A_115 = vector.broadcast %mul3A_114 : f32 to vector<256xf32>
    %mul3A_116 = arith.mulf %convert_element_type3A_113, %mul3A_115 : vector<256xf32>
    %add3A_117 = arith.addf %mul3A_116, %reduce_sum3A_99 : vector<256xf32>
    %jit3A_118 = arith.constant 2.560000e+03 : f32
    %broadcast_in_dim3A_119 = vector.broadcast %jit3A_118 : f32 to vector<256xf32>
    %select_n3A_120 = arith.select %lt3A_112, %add3A_117, %broadcast_in_dim3A_119 : vector<256xi1>, vector<256xf32>
    %convert_element_type3A_121 = arith.fptosi %select_n3A_120 : vector<256xf32> to vector<256xi32>
    %swap3A_122 = arith.constant 0 : index
    %swap3A_123 = arith.constant 0 : index
    %swap3A_124 = arith.constant 0 : index
    %swap3A_125 = vector.load %arg10[%swap3A_122, %swap3A_123, %swap3A_124] : memref<1x1x256xi32, #tpu.memory_space<vmem>>, vector<1x1x256xi32>
    %swap3A_126 = vector.shape_cast %swap3A_125 : vector<1x1x256xi32> to vector<256xi32>
    %swap3A_127 = vector.shape_cast %convert_element_type3A_121 : vector<256xi32> to vector<1x1x256xi32>
    tpu.vector_store %arg10[%swap3A_122, %swap3A_123, %swap3A_124], %swap3A_127 {strides = array<i32>} : memref<1x1x256xi32, #tpu.memory_space<vmem>>, vector<1x1x256xi32>,
    %jit3A_128 = arith.constant 0.000000e+00 : f32
    %broadcast_in_dim3A_129 = vector.broadcast %jit3A_128 : f32 to vector<256xf32>
    %select_n3A_130 = arith.select %lt3A_112, %add3A_117, %broadcast_in_dim3A_129 : vector<256xi1>, vector<256xf32>
    %convert_element_type3A_131 = arith.fptosi %select_n3A_130 : vector<256xf32> to vector<256xi32>
    %swap3A_132 = arith.constant 0 : index
    %swap3A_133 = arith.constant 0 : index
    %swap3A_134 = arith.constant 0 : index
    %swap3A_135 = vector.load %arg11[%swap3A_132, %swap3A_133, %swap3A_134] : memref<1x1x256xi32, #tpu.memory_space<vmem>>, vector<1x1x256xi32>
    %swap3A_136 = vector.shape_cast %swap3A_135 : vector<1x1x256xi32> to vector<256xi32>
    %swap3A_137 = vector.shape_cast %convert_element_type3A_131 : vector<256xi32> to vector<1x1x256xi32>
    tpu.vector_store %arg11[%swap3A_132, %swap3A_133, %swap3A_134], %swap3A_137 {strides = array<i32>} : memref<1x1x256xi32, #tpu.memory_space<vmem>>, vector<1x1x256xi32>,
    %jit3A_138 = arith.constant 0.000000e+00 : f32
    %broadcast_in_dim3A_139 = vector.broadcast %jit3A_138 : f32 to vector<256xf32>
    %select_n3A_140 = arith.select %lt3A_112, %div3A_68, %broadcast_in_dim3A_139 : vector<256xi1>, vector<256xf32>
    %swap3A_141 = arith.constant 0 : index
    %swap3A_142 = arith.constant 0 : index
    %swap3A_143 = arith.constant 0 : index
    %swap3A_144 = vector.load %arg12[%swap3A_141, %swap3A_142, %swap3A_143] : memref<1x1x256xf32, #tpu.memory_space<vmem>>, vector<1x1x256xf32>
    %swap3A_145 = vector.shape_cast %swap3A_144 : vector<1x1x256xf32> to vector<256xf32>
    %swap3A_146 = vector.shape_cast %select_n3A_140 : vector<256xf32> to vector<1x1x256xf32>
    tpu.vector_store %arg12[%swap3A_141, %swap3A_142, %swap3A_143], %swap3A_146 {strides = array<i32>} : memref<1x1x256xf32, #tpu.memory_space<vmem>>, vector<1x1x256xf32>,
    return
  }
  func.func @transform_0(%arg0: i32) -> (i32, i32) {
    %c0_i32 = arith.constant 0 : i32
    %c0_i32_0 = arith.constant 0 : i32
    return %arg0, %c0_i32 : i32, i32
  }
  func.func @transform_1(%arg0: i32) -> (i32, i32) {
    %c0_i32 = arith.constant 0 : i32
    %c0_i32_0 = arith.constant 0 : i32
    return %arg0, %c0_i32 : i32, i32
  }
  func.func @transform_2(%arg0: i32) -> (i32, i32) {
    %c0_i32 = arith.constant 0 : i32
    %c0_i32_0 = arith.constant 0 : i32
    %c0_i32_1 = arith.constant 0 : i32
    return %c0_i32, %c0_i32_0 : i32, i32
  }
  func.func @transform_3(%arg0: i32) -> (i32, i32) {
    %c0_i32 = arith.constant 0 : i32
    %c0_i32_0 = arith.constant 0 : i32
    %c0_i32_1 = arith.constant 0 : i32
    return %c0_i32, %c0_i32_0 : i32, i32
  }
  func.func @transform_4(%arg0: i32) -> (i32, i32) {
    %c0_i32 = arith.constant 0 : i32
    %c0_i32_0 = arith.constant 0 : i32
    %c0_i32_1 = arith.constant 0 : i32
    return %c0_i32, %c0_i32_0 : i32, i32
  }
  func.func @transform_5(%arg0: i32) -> (i32, i32) {
    %c0_i32 = arith.constant 0 : i32
    %c0_i32_0 = arith.constant 0 : i32
    %c0_i32_1 = arith.constant 0 : i32
    return %c0_i32, %c0_i32_0 : i32, i32
  }
  func.func @transform_6(%arg0: i32) -> (i32, i32) {
    %c0_i32 = arith.constant 0 : i32
    %c0_i32_0 = arith.constant 0 : i32
    %c0_i32_1 = arith.constant 0 : i32
    return %c0_i32, %c0_i32_0 : i32, i32
  }
  func.func @transform_7(%arg0: i32) -> (i32, i32) {
    %c0_i32 = arith.constant 0 : i32
    %c0_i32_0 = arith.constant 0 : i32
    return %arg0, %c0_i32 : i32, i32
  }
  func.func @transform_8(%arg0: i32) -> (i32, i32) {
    %c0_i32 = arith.constant 0 : i32
    %c0_i32_0 = arith.constant 0 : i32
    return %arg0, %c0_i32 : i32, i32
  }
  func.func @transform_9(%arg0: i32) -> (i32, i32, i32) {
    %c0_i32 = arith.constant 0 : i32
    %c0_i32_0 = arith.constant 0 : i32
    %c0_i32_1 = arith.constant 0 : i32
    return %arg0, %c0_i32, %c0_i32_0 : i32, i32, i32
  }
  func.func @transform_10(%arg0: i32) -> (i32, i32, i32) {
    %c0_i32 = arith.constant 0 : i32
    %c0_i32_0 = arith.constant 0 : i32
    %c0_i32_1 = arith.constant 0 : i32
    return %arg0, %c0_i32, %c0_i32_0 : i32, i32, i32
  }
  func.func @transform_11(%arg0: i32) -> (i32, i32, i32) {
    %c0_i32 = arith.constant 0 : i32
    %c0_i32_0 = arith.constant 0 : i32
    %c0_i32_1 = arith.constant 0 : i32
    return %arg0, %c0_i32, %c0_i32_0 : i32, i32, i32
  }
}

module attributes {stable_mosaic.version = 14 : i64} {
  func.func @_ffn_body(%arg0: i32, %arg1: i32, %arg2: memref<1x320x1024xf32, #tpu.memory_space<vmem>>, %arg3: memref<1x1024x1024xf32, #tpu.memory_space<vmem>>, %arg4: memref<1x1x1024xf32, #tpu.memory_space<vmem>>, %arg5: memref<1x1024x1024xf32, #tpu.memory_space<vmem>>, %arg6: memref<1x1x1024xf32, #tpu.memory_space<vmem>>, %arg7: memref<1x320x1024xf32, #tpu.memory_space<vmem>>) attributes {dimension_semantics = [#tpu.dimension_semantics<arbitrary>, #tpu.dimension_semantics<arbitrary>], iteration_bounds = array<i64: 8, 4>, scalar_prefetch = 0 : i64, scratch_operands = 0 : i64, tpu.core_type = #tpu.core_type<tc>, window_params = [{transform_indices = @transform_0, window_bounds = array<i64: 1, 320, 1024>}, {transform_indices = @transform_1, window_bounds = array<i64: 1, 1024, 1024>}, {transform_indices = @transform_2, window_bounds = array<i64: 1, 1, 1024>}, {transform_indices = @transform_3, window_bounds = array<i64: 1, 1024, 1024>}, {transform_indices = @transform_4, window_bounds = array<i64: 1, 1, 1024>}, {transform_indices = @transform_5, window_bounds = array<i64: 1, 320, 1024>}]} {
    %get3A = arith.constant 0 : index
    %get3A_0 = arith.constant 0 : index
    %get3A_1 = arith.constant 0 : index
    %get3A_2 = vector.load %arg2[%get3A, %get3A_0, %get3A_1] : memref<1x320x1024xf32, #tpu.memory_space<vmem>>, vector<1x320x1024xf32>
    %get3A_3 = vector.shape_cast %get3A_2 : vector<1x320x1024xf32> to vector<320x1024xf32>
    %get3A_4 = arith.constant 0 : index
    %get3A_5 = arith.constant 0 : index
    %get3A_6 = arith.constant 0 : index
    %get3A_7 = vector.load %arg3[%get3A_4, %get3A_5, %get3A_6] : memref<1x1024x1024xf32, #tpu.memory_space<vmem>>, vector<1x1024x512xf32>
    %get3A_8 = vector.shape_cast %get3A_7 : vector<1x1024x512xf32> to vector<1024x512xf32>
    %dot_general3A = arith.constant dense<0.000000e+00> : vector<320x512xf32>
    %dot_general3A_9 = tpu.matmul %get3A_3, %get3A_8, %dot_general3A {dimension_numbers = #tpu.dot_dimension_numbers<[1], [0], [0], [1], [0, 0, 1, 1], [], []>, transpose_lhs_hint = false} : vector<320x1024xf32>, vector<1024x512xf32>, vector<320x512xf32> -> vector<320x512xf32>
    %get3A_10 = arith.constant 0 : index
    %get3A_11 = arith.constant 0 : index
    %get3A_12 = arith.constant 0 : index
    %get3A_13 = vector.load %arg4[%get3A_10, %get3A_11, %get3A_12] : memref<1x1x1024xf32, #tpu.memory_space<vmem>>, vector<1x1x512xf32>
    %get3A_14 = vector.shape_cast %get3A_13 : vector<1x1x512xf32> to vector<1x512xf32>
    %add3A = vector.broadcast %get3A_14 : vector<1x512xf32> to vector<320x512xf32>
    %add3A_15 = arith.addf %dot_general3A_9, %add3A : vector<320x512xf32>
    %integer_pow3A = arith.mulf %add3A_15, %add3A_15 : vector<320x512xf32>
    %integer_pow3A_16 = arith.mulf %add3A_15, %integer_pow3A : vector<320x512xf32>
    %mul3A = arith.constant 4.471500e-02 : f32
    %mul3A_17 = vector.broadcast %mul3A : f32 to vector<320x512xf32>
    %mul3A_18 = arith.mulf %mul3A_17, %integer_pow3A_16 : vector<320x512xf32>
    %add3A_19 = arith.addf %add3A_15, %mul3A_18 : vector<320x512xf32>
    %mul3A_20 = arith.constant 0.797884583 : f32
    %mul3A_21 = vector.broadcast %mul3A_20 : f32 to vector<320x512xf32>
    %mul3A_22 = arith.mulf %mul3A_21, %add3A_19 : vector<320x512xf32>
    %tanh3A = math.tanh %mul3A_22 : vector<320x512xf32>
    %add3A_23 = arith.constant 1.000000e+00 : f32
    %add3A_24 = vector.broadcast %add3A_23 : f32 to vector<320x512xf32>
    %add3A_25 = arith.addf %add3A_24, %tanh3A : vector<320x512xf32>
    %mul3A_26 = arith.constant 5.000000e-01 : f32
    %mul3A_27 = vector.broadcast %mul3A_26 : f32 to vector<320x512xf32>
    %mul3A_28 = arith.mulf %mul3A_27, %add3A_25 : vector<320x512xf32>
    %mul3A_29 = arith.mulf %add3A_15, %mul3A_28 : vector<320x512xf32>
    %get3A_30 = arith.constant 0 : index
    %get3A_31 = arith.constant 0 : index
    %get3A_32 = arith.constant 0 : index
    %get3A_33 = vector.load %arg5[%get3A_30, %get3A_31, %get3A_32] : memref<1x1024x1024xf32, #tpu.memory_space<vmem>>, vector<1x512x1024xf32>
    %get3A_34 = vector.shape_cast %get3A_33 : vector<1x512x1024xf32> to vector<512x1024xf32>
    %dot_general3A_35 = arith.constant dense<0.000000e+00> : vector<320x1024xf32>
    %dot_general3A_36 = tpu.matmul %mul3A_29, %get3A_34, %dot_general3A_35 {dimension_numbers = #tpu.dot_dimension_numbers<[1], [0], [0], [1], [0, 0, 1, 1], [], []>, transpose_lhs_hint = false} : vector<320x512xf32>, vector<512x1024xf32>, vector<320x1024xf32> -> vector<320x1024xf32>
    %get3A_37 = arith.constant 0 : index
    %get3A_38 = arith.constant 0 : index
    %get3A_39 = arith.constant 512 : index
    %get3A_40 = vector.load %arg3[%get3A_37, %get3A_38, %get3A_39] : memref<1x1024x1024xf32, #tpu.memory_space<vmem>>, vector<1x1024x512xf32>
    %get3A_41 = vector.shape_cast %get3A_40 : vector<1x1024x512xf32> to vector<1024x512xf32>
    %dot_general3A_42 = arith.constant dense<0.000000e+00> : vector<320x512xf32>
    %dot_general3A_43 = tpu.matmul %get3A_3, %get3A_41, %dot_general3A_42 {dimension_numbers = #tpu.dot_dimension_numbers<[1], [0], [0], [1], [0, 0, 1, 1], [], []>, transpose_lhs_hint = false} : vector<320x1024xf32>, vector<1024x512xf32>, vector<320x512xf32> -> vector<320x512xf32>
    %get3A_44 = arith.constant 0 : index
    %get3A_45 = arith.constant 0 : index
    %get3A_46 = arith.constant 512 : index
    %get3A_47 = vector.load %arg4[%get3A_44, %get3A_45, %get3A_46] : memref<1x1x1024xf32, #tpu.memory_space<vmem>>, vector<1x1x512xf32>
    %get3A_48 = vector.shape_cast %get3A_47 : vector<1x1x512xf32> to vector<1x512xf32>
    %add3A_49 = vector.broadcast %get3A_48 : vector<1x512xf32> to vector<320x512xf32>
    %add3A_50 = arith.addf %dot_general3A_43, %add3A_49 : vector<320x512xf32>
    %integer_pow3A_51 = arith.mulf %add3A_50, %add3A_50 : vector<320x512xf32>
    %integer_pow3A_52 = arith.mulf %add3A_50, %integer_pow3A_51 : vector<320x512xf32>
    %mul3A_53 = arith.constant 4.471500e-02 : f32
    %mul3A_54 = vector.broadcast %mul3A_53 : f32 to vector<320x512xf32>
    %mul3A_55 = arith.mulf %mul3A_54, %integer_pow3A_52 : vector<320x512xf32>
    %add3A_56 = arith.addf %add3A_50, %mul3A_55 : vector<320x512xf32>
    %mul3A_57 = arith.constant 0.797884583 : f32
    %mul3A_58 = vector.broadcast %mul3A_57 : f32 to vector<320x512xf32>
    %mul3A_59 = arith.mulf %mul3A_58, %add3A_56 : vector<320x512xf32>
    %tanh3A_60 = math.tanh %mul3A_59 : vector<320x512xf32>
    %add3A_61 = arith.constant 1.000000e+00 : f32
    %add3A_62 = vector.broadcast %add3A_61 : f32 to vector<320x512xf32>
    %add3A_63 = arith.addf %add3A_62, %tanh3A_60 : vector<320x512xf32>
    %mul3A_64 = arith.constant 5.000000e-01 : f32
    %mul3A_65 = vector.broadcast %mul3A_64 : f32 to vector<320x512xf32>
    %mul3A_66 = arith.mulf %mul3A_65, %add3A_63 : vector<320x512xf32>
    %mul3A_67 = arith.mulf %add3A_50, %mul3A_66 : vector<320x512xf32>
    %get3A_68 = arith.constant 0 : index
    %get3A_69 = arith.constant 512 : index
    %get3A_70 = arith.constant 0 : index
    %get3A_71 = vector.load %arg5[%get3A_68, %get3A_69, %get3A_70] : memref<1x1024x1024xf32, #tpu.memory_space<vmem>>, vector<1x512x1024xf32>
    %get3A_72 = vector.shape_cast %get3A_71 : vector<1x512x1024xf32> to vector<512x1024xf32>
    %dot_general3A_73 = arith.constant dense<0.000000e+00> : vector<320x1024xf32>
    %dot_general3A_74 = tpu.matmul %mul3A_67, %get3A_72, %dot_general3A_73 {dimension_numbers = #tpu.dot_dimension_numbers<[1], [0], [0], [1], [0, 0, 1, 1], [], []>, transpose_lhs_hint = false} : vector<320x512xf32>, vector<512x1024xf32>, vector<320x1024xf32> -> vector<320x1024xf32>
    %add3A_75 = arith.addf %dot_general3A_36, %dot_general3A_74 : vector<320x1024xf32>
    %eq3A = arith.constant 0 : i32
    %eq3A_76 = arith.cmpi eq, %arg1, %eq3A : i32
    %convert_element_type3A = arith.extui %eq3A_76 : i1 to i32
    %cond3A = arith.constant 0 : i32
    %cond3A_77 = arith.cmpi ne, %convert_element_type3A, %cond3A : i32
    scf.if %cond3A_77 {
      %get3A_82 = arith.constant 0 : index
      %get3A_83 = arith.constant 0 : index
      %get3A_84 = arith.constant 0 : index
      %get3A_85 = vector.load %arg6[%get3A_82, %get3A_83, %get3A_84] : memref<1x1x1024xf32, #tpu.memory_space<vmem>>, vector<1x1x1024xf32>
      %get3A_86 = vector.shape_cast %get3A_85 : vector<1x1x1024xf32> to vector<1x1024xf32>
      %add3A_87 = vector.broadcast %get3A_86 : vector<1x1024xf32> to vector<320x1024xf32>
      %add3A_88 = arith.addf %add3A_75, %add3A_87 : vector<320x1024xf32>
      %swap3A = arith.constant 0 : index
      %swap3A_89 = arith.constant 0 : index
      %swap3A_90 = arith.constant 0 : index
      %swap3A_91 = vector.load %arg7[%swap3A, %swap3A_89, %swap3A_90] : memref<1x320x1024xf32, #tpu.memory_space<vmem>>, vector<1x320x1024xf32>
      %swap3A_92 = vector.shape_cast %swap3A_91 : vector<1x320x1024xf32> to vector<320x1024xf32>
      %swap3A_93 = vector.shape_cast %add3A_88 : vector<320x1024xf32> to vector<1x320x1024xf32>
      tpu.vector_store %arg7[%swap3A, %swap3A_89, %swap3A_90], %swap3A_93 {strides = array<i32>} : memref<1x320x1024xf32, #tpu.memory_space<vmem>>, vector<1x320x1024xf32>,
    } else {
    }
    %gt3A = arith.constant 0 : i32
    %gt3A_78 = arith.cmpi sgt, %arg1, %gt3A : i32
    %convert_element_type3A_79 = arith.extui %gt3A_78 : i1 to i32
    %cond3A_80 = arith.constant 0 : i32
    %cond3A_81 = arith.cmpi ne, %convert_element_type3A_79, %cond3A_80 : i32
    scf.if %cond3A_81 {
      %get3A_82 = arith.constant 0 : index
      %get3A_83 = arith.constant 0 : index
      %get3A_84 = arith.constant 0 : index
      %get3A_85 = vector.load %arg7[%get3A_82, %get3A_83, %get3A_84] : memref<1x320x1024xf32, #tpu.memory_space<vmem>>, vector<1x320x1024xf32>
      %get3A_86 = vector.shape_cast %get3A_85 : vector<1x320x1024xf32> to vector<320x1024xf32>
      %add3A_87 = arith.addf %get3A_86, %add3A_75 : vector<320x1024xf32>
      %swap3A = arith.constant 0 : index
      %swap3A_88 = arith.constant 0 : index
      %swap3A_89 = arith.constant 0 : index
      %swap3A_90 = vector.load %arg7[%swap3A, %swap3A_88, %swap3A_89] : memref<1x320x1024xf32, #tpu.memory_space<vmem>>, vector<1x320x1024xf32>
      %swap3A_91 = vector.shape_cast %swap3A_90 : vector<1x320x1024xf32> to vector<320x1024xf32>
      %swap3A_92 = vector.shape_cast %add3A_87 : vector<320x1024xf32> to vector<1x320x1024xf32>
      tpu.vector_store %arg7[%swap3A, %swap3A_88, %swap3A_89], %swap3A_92 {strides = array<i32>} : memref<1x320x1024xf32, #tpu.memory_space<vmem>>, vector<1x320x1024xf32>,
    } else {
    }
    return
  }
  func.func @transform_0(%arg0: i32, %arg1: i32) -> (i32, i32, i32) {
    %c0_i32 = arith.constant 0 : i32
    %c0_i32_0 = arith.constant 0 : i32
    %c0_i32_1 = arith.constant 0 : i32
    return %arg0, %c0_i32, %c0_i32_0 : i32, i32, i32
  }
  func.func @transform_1(%arg0: i32, %arg1: i32) -> (i32, i32, i32) {
    %c0_i32 = arith.constant 0 : i32
    %c0_i32_0 = arith.constant 0 : i32
    return %arg0, %c0_i32, %arg1 : i32, i32, i32
  }
  func.func @transform_2(%arg0: i32, %arg1: i32) -> (i32, i32, i32) {
    %c0_i32 = arith.constant 0 : i32
    %c0_i32_0 = arith.constant 0 : i32
    return %arg0, %c0_i32, %arg1 : i32, i32, i32
  }
  func.func @transform_3(%arg0: i32, %arg1: i32) -> (i32, i32, i32) {
    %c0_i32 = arith.constant 0 : i32
    %c0_i32_0 = arith.constant 0 : i32
    return %arg0, %arg1, %c0_i32 : i32, i32, i32
  }
  func.func @transform_4(%arg0: i32, %arg1: i32) -> (i32, i32, i32) {
    %c0_i32 = arith.constant 0 : i32
    %c0_i32_0 = arith.constant 0 : i32
    %c0_i32_1 = arith.constant 0 : i32
    return %arg0, %c0_i32, %c0_i32_0 : i32, i32, i32
  }
  func.func @transform_5(%arg0: i32, %arg1: i32) -> (i32, i32, i32) {
    %c0_i32 = arith.constant 0 : i32
    %c0_i32_0 = arith.constant 0 : i32
    %c0_i32_1 = arith.constant 0 : i32
    return %arg0, %c0_i32, %c0_i32_0 : i32, i32, i32
  }
}

module attributes {stable_mosaic.version = 14 : i64} {
  func.func @_final_body(%arg0: i32, %arg1: memref<1x1x256xf32, #tpu.memory_space<vmem>>, %arg2: memref<256x1024xf32, #tpu.memory_space<vmem>>, %arg3: memref<256x1024xf32, #tpu.memory_space<vmem>>, %arg4: memref<256x1024xf32, #tpu.memory_space<vmem>>) attributes {dimension_semantics = [#tpu.dimension_semantics<arbitrary>], iteration_bounds = array<i64: 8>, scalar_prefetch = 0 : i64, scratch_operands = 0 : i64, tpu.core_type = #tpu.core_type<tc>, window_params = [{transform_indices = @transform_0, window_bounds = array<i64: 1, 1, 256>}, {transform_indices = @transform_1, window_bounds = array<i64: 256, 1024>}, {transform_indices = @transform_2, window_bounds = array<i64: 256, 1024>}, {transform_indices = @transform_3, window_bounds = array<i64: 256, 1024>}]} {
    %get3A = arith.constant 0 : index
    %get3A_0 = arith.constant 0 : index
    %get3A_1 = arith.constant 0 : index
    %get3A_2 = vector.load %arg1[%get3A, %get3A_0, %get3A_1] : memref<1x1x256xf32, #tpu.memory_space<vmem>>, vector<1x1x256xf32>
    %get3A_3 = vector.shape_cast %get3A_2 : vector<1x1x256xf32> to vector<256xf32>
    %get3A_4 = arith.constant 0 : index
    %get3A_5 = arith.constant 0 : index
    %get3A_6 = vector.load %arg3[%get3A_4, %get3A_5] : memref<256x1024xf32, #tpu.memory_space<vmem>>, vector<256x1024xf32>
    %get3A_7 = arith.constant 0 : index
    %get3A_8 = arith.constant 0 : index
    %get3A_9 = vector.load %arg2[%get3A_7, %get3A_8] : memref<256x1024xf32, #tpu.memory_space<vmem>>, vector<256x1024xf32>
    %broadcast_in_dim3A = vector.shape_cast %get3A_3 : vector<256xf32> to vector<256x1xf32>
    %mul3A = vector.broadcast %broadcast_in_dim3A : vector<256x1xf32> to vector<256x1024xf32>
    %mul3A_10 = arith.mulf %get3A_9, %mul3A : vector<256x1024xf32>
    %add3A = arith.addf %get3A_6, %mul3A_10 : vector<256x1024xf32>
    %swap3A = arith.constant 0 : index
    %swap3A_11 = arith.constant 0 : index
    %swap3A_12 = vector.load %arg4[%swap3A, %swap3A_11] : memref<256x1024xf32, #tpu.memory_space<vmem>>, vector<256x1024xf32>
    tpu.vector_store %arg4[%swap3A, %swap3A_11], %add3A {strides = array<i32>} : memref<256x1024xf32, #tpu.memory_space<vmem>>, vector<256x1024xf32>,
    return
  }
  func.func @transform_0(%arg0: i32) -> (i32, i32, i32) {
    %c0_i32 = arith.constant 0 : i32
    %c0_i32_0 = arith.constant 0 : i32
    %c0_i32_1 = arith.constant 0 : i32
    return %arg0, %c0_i32, %c0_i32_0 : i32, i32, i32
  }
  func.func @transform_1(%arg0: i32) -> (i32, i32) {
    %c0_i32 = arith.constant 0 : i32
    %c0_i32_0 = arith.constant 0 : i32
    return %arg0, %c0_i32 : i32, i32
  }
  func.func @transform_2(%arg0: i32) -> (i32, i32) {
    %c0_i32 = arith.constant 0 : i32
    %c0_i32_0 = arith.constant 0 : i32
    return %arg0, %c0_i32 : i32, i32
  }
  func.func @transform_3(%arg0: i32) -> (i32, i32) {
    %c0_i32 = arith.constant 0 : i32
    %c0_i32_0 = arith.constant 0 : i32
    return %arg0, %c0_i32 : i32, i32
  }
}

</mosaic_0001>

<sc_bundles>
// kernel: kernel.12.cloned.1.call-start
scs
__scs_entry_jumppad:
0x0: {  	(pc) =	sbr.rel $0x88, $3  }
0x1: {  	(tag) =	ssettag $0x0;
	lr =	simm.s32 $0x1  }
0x2: {  	[smem:$0x3F8E] =	sst lr;
	_ =	strace $0xD0000000  }
0x3: {  	_ = 	snop  }
0x4: {  	_ = 	snop  }
0x5: {  	_ = 	snop  }
0x6: {  	_ = 	snop  }
0x7: {  	_ = 	snop  }
__scs_overlays_trampoline_lowered:
0x8: {  	[smem:$0x3F9D] =	sst s0  }
0x9: {  	[smem:$0x3F9E] =	sst s1  }
0xa: {  	[smem:$0x3F9F] =	sst s2  }
0xb: {  	[smem:$0x3FA0] =	sst s3  }
0xc: {  	[smem:$0x3FA1] =	sst s4  }
0xd: {  	[smem:$0x3FA2] =	sst s5  }
0xe: {  	[smem:$0x3FA3] =	sst s6  }
0xf: {  	[smem:$0x3FA4] =	sst s7  }
0x10: {  	[smem:$0x3FA5] =	sst s8  }
0x11: {  	[smem:$0x3FA6] =	sst s9;
	s0 =	simm.s32 @!p0 $0x0  }
0x12: {  	s1 =	sld [smem:$0x3F8C];
	s0 =	simm.s32 @p0 $0x1  }
0x13: {  	[smem:$0x3FA7] =	sst s0;
	s0 =	simm.s32 @!p1 $0x0  }
0x14: {  	s2 =	sld [smem:$0x3F8B];
	s0 =	simm.s32 @p1 $0x1  }
0x15: {  	[smem:$0x3FA8] =	sst s0;
	s0 =	simm.s32 @!p2 $0x0  }
0x16: {  	s3 =	sld [smem:$0x3FDB];
	s0 =	simm.s32 @p2 $0x1  }
0x17: {  	s4 =	simm.s32 $0x1BF5;
	[smem:$0x3FAA] =	sst s0  }
0x18: {  	s0 =	sld [smem:$0x3F8D];
	_ =	swait.ge [sflag:s4], $0x0  }
0x19: {  	s7 =	sld [smem:$0x3F8E]  }
0x1a: {  	s8 =	sadd.s32 $0xFFFFE003, lr  }
0x1b: {  	s9 =	sadd.s32 $0xFFFFFEF7, lr;
	s5 =	simm.s32 $0xFFFFFFFF;
	p2 =	slt.u32 s8, $0xFFFFF086  }
0x1c: {  	p1 =	slt.u32 s9, $0xF7A;
	s5 =	simm.s32 @!p2 $0x0  }
0x1d: {  	s5 =	simm.s32 @p1 $0x1;
	p0 =	seq.s32 s7, s2  }
0x1e: {  	s7 =	smul.u32 @!p0 $0xF7A, s2;
	p2 =	seq.s32 @!p0 s5, $0x0  }
0x1f: {  	s9 =	smul.u32 $0xF7A, s1;
	s8 =	simm.s32 @!p0 $0x1BF5;
	p2 =	por !p2, p0  }
0x20: {  	[sflag:s8] =	ssyncset.s32 @!p0 $0xFFFFF086;
	s6 =	sadd.s32 @!p0 s3, s7;
	s7 =	simm.s32 @!p0 $0x108  }
0x21: {  	s3 =	sadd.s32 s3, s9;
	s6 =	sadd.s32 @!p0 $0x88, s6;
	s7 =	simm.s32 @p2 $0x1082  }
0x22: {  	[simem:s7], [sflag:s8] =	dma.local @!p0 [hbm:s6], $0xF7A  }
0x23: {  	s9 =	sor.u32 $0xD0000000, s2;
	s6 =	simm.s32 $0x108;
	_ =	swait.ge @!p0 [sflag:s8], $0x0  }
0x24: {  	s3 =	sadd.s32 $0x88, s3;
	s6 =	simm.s32 @!p1 $0x1082;
	[sflag:s4] =	ssyncset.s32 $0xFFFFF086  }
0x25: {  	[simem:s6], [sflag:s4] =	dma.local [hbm:s3], $0xF7A  }
0x26: {  	[smem:$0x3F8E] =	sst s1;
	(tag) =	ssettag s2;
	_ =	strace s9  }
0x27: {  	s1 =	sld [smem:$0x3F9E]  }
0x28: {  	s2 =	sld [smem:$0x3F9F]  }
0x29: {  	s4 =	sld [smem:$0x3FA1]  }
0x2a: {  	p0 =	seq.s32 s5, $0x0;
	s5 =	sld [smem:$0x3FA2]  }
0x2b: {  	s6 =	sld [smem:$0x3FA3]  }
0x2c: {  	s7 =	sld [smem:$0x3FA4]  }
0x2d: {  	s3 =	simm.s32 $0x108;
	s8 =	sld [smem:$0x3FA5]  }
0x2e: {  	s3 =	simm.s32 @!p0 $0x1082;
	s9 =	sld [smem:$0x3FA6]  }
0x2f: {  	lr =	sadd.s32 s0, s3;
	s0 =	sld [smem:$0x3F9D]  }
0x30: {  	s3 =	sld [smem:$0x3FA0]  }
0x31: {  	[smem:$0x3FA9] =	sst s10  }
0x32: {  	s10 =	sld [smem:$0x3FA7];
	_ =	sdelay $0x3  }
0x33: {  	p0 =	seq.s32 s10, $0x1;
	s10 =	sld [smem:$0x3FA9];
	_ =	sdelay $0x3  }
0x34: {  	[smem:$0x3FA9] =	sst s10  }
0x35: {  	s10 =	sld [smem:$0x3FA8];
	_ =	sdelay $0x3  }
0x36: {  	p1 =	seq.s32 s10, $0x1;
	s10 =	sld [smem:$0x3FA9];
	_ =	sdelay $0x3  }
0x37: {  	[smem:$0x3FA9] =	sst s10  }
0x38: {  	s10 =	sld [smem:$0x3FAA]  }
0x39: {  	_ = 	snop;
	(pc) =	sbr.ind lr, $3  }
0x3a: {  	_ = 	snop  }
0x3b: {  	_ = 	snop  }
0x3c: {  	p2 =	seq.s32 s10, $0x1;
	s10 =	sld [smem:$0x3FA9]  }
0x3d: {  	_ =	shalt  }
0x3e: {  	_ =	shalt  }
0x3f: {  	_ =	shalt  }
0x40: {  	_ =	shalt  }
0x41: {  	_ =	shalt  }
0x42: {  	_ =	shalt  }
0x43: {  	_ =	shalt  }
0x44: {  	_ =	shalt  }
0x45: {  	_ =	shalt  }
0x46: {  	_ =	shalt  }
0x47: {  	_ =	shalt  }
0x48: {  	_ =	shalt  }
0x49: {  	_ =	shalt  }
0x4a: {  	_ =	shalt  }
0x4b: {  	_ =	shalt  }
0x4c: {  	_ =	shalt  }
0x4d: {  	_ =	shalt  }
0x4e: {  	_ =	shalt  }
0x4f: {  	_ =	shalt  }
0x50: {  	_ =	shalt  }
0x51: {  	_ =	shalt  }
0x52: {  	_ =	shalt  }
0x53: {  	_ =	shalt  }
0x54: {  	_ =	shalt  }
0x55: {  	_ =	shalt  }
0x56: {  	_ =	shalt  }
0x57: {  	_ =	shalt  }
0x58: {  	_ =	shalt  }
0x59: {  	_ =	shalt  }
0x5a: {  	_ =	shalt  }
0x5b: {  	_ =	shalt  }
0x5c: {  	_ =	shalt  }
0x5d: {  	_ =	shalt  }
0x5e: {  	_ =	shalt  }
0x5f: {  	_ =	shalt  }
0x60: {  	_ =	shalt  }
0x61: {  	_ =	shalt  }
0x62: {  	_ =	shalt  }
0x63: {  	_ =	shalt  }
0x64: {  	_ =	shalt  }
0x65: {  	_ =	shalt  }
0x66: {  	_ =	shalt  }
0x67: {  	_ =	shalt  }
0x68: {  	_ =	shalt  }
0x69: {  	_ =	shalt  }
0x6a: {  	_ =	shalt  }
0x6b: {  	_ =	shalt  }
0x6c: {  	_ =	shalt  }
0x6d: {  	_ =	shalt  }
0x6e: {  	_ =	shalt  }
0x6f: {  	_ =	shalt  }
0x70: {  	_ =	shalt  }
0x71: {  	_ =	shalt  }
0x72: {  	_ =	shalt  }
0x73: {  	_ =	shalt  }
0x74: {  	_ =	shalt  }
0x75: {  	_ =	shalt  }
0x76: {  	_ =	shalt  }
0x77: {  	_ =	shalt  }
0x78: {  	_ =	shalt  }
0x79: {  	_ =	shalt  }
0x7a: {  	_ =	shalt  }
0x7b: {  	_ =	shalt  }
0x7c: {  	_ =	shalt  }
0x7d: {  	_ =	shalt  }
0x7e: {  	_ =	shalt  }
0x7f: {  	_ =	shalt  }
0x80: {  	_ =	shalt  }
0x81: {  	_ =	shalt  }
0x82: {  	_ =	shalt  }
0x83: {  	_ =	shalt  }
0x84: {  	_ =	shalt  }
0x85: {  	_ =	shalt  }
0x86: {  	_ =	shalt  }
0x87: {  	_ =	shalt  }
.Lfunc_end0:
.L_simem_size_0:
called_computation.1_lowered:
.L_overlay_start_0:
0x88: {  	s2 =	sld [smem:$0x3FD9]  }
0x89: {  	s3 =	sld [smem:$0x3FFE];
	_ =	sdelay $0x1  }
0x8a: {  	s1 =	srdreg.scid  }
0x8b: {  	s0 =	sand.u32 $0x1, s1  }
0x8c: {  	s17 =	sshll.u32 s0, $0xA;
	s2 =	sadd.s32 s3, s2  }
0x8d: {  	s2 =	sadd.s32 s2, s17  }
0x8e: {  	[smem:$0x3FB5] =	sst s2  }
0x8f: {  	_ = 	snop  }
0x90: {  	s2 =	sld [smem:$0x3FD0];
	(tm) =	ssettm $0x1  }
0x91: {  	s18 =	sld [smem:$0x3FFB];
	_ =	sdelay $0x3  }
0x92: {  	_ =	strace s18  }
0x93: {  	s3 =	sld [smem:$0x3FFC];
	_ =	sdelay $0x3  }
0x94: {  	_ =	strace s3  }
0x95: {  	s3 =	sld [smem:$0x3FFD];
	_ =	sdelay $0x3  }
0x96: {  	_ =	strace s3  }
0x97: {  	_ =	strace $0x8FFFFFFF  }
0x98: {  	s19 =	sld [smem:$0x3FDB];
	_ =	sdelay $0x1  }
0x99: {  	s4 =	simm.s32 $_scs_section_size  }
0x9a: {  	s5 =	simm.s32 $_size__tile_overlayer_lowered;
	s6 =	simm.s32 $_tile_overlayer_lowered  }
0x9b: {  	s22 =	simm.s32 $0x1BFF;
	s21 =	sshll.u32 s6, $0x1;
	s3 =	sadd.s32 s4, s19  }
0x9c: {  	s7 =	simm.s32 $0x0;
	s20 =	sshll.u32 s5, $0x1;
	s5 =	sadd.s32 s21, s3  }
0x9d: {  	[timem:s7], [sflag:s22] =	dma.local [hbm:s5], s20  }
0x9e: {  	_ =	swait.ge [sflag:s22], s20  }
0x9f: {  	s4 =	ssub.s32 $0x0, s20;
	[sflag:s22] =	ssyncset.done $0x0  }
0xa0: {  	[sflag:s22] =	ssyncadd.s32 s4;
	_ =	sdelay $0x1  }
0xa1: {  	s23 =	simm.s32 $0x1B8B  }
0xa2: {  	_ =	swait.ge [sflag:s23], $0x1  }
0xa3: {  	[sflag:s23] =	ssyncset.done $0x0  }
0xa4: {  	s25 =	simm.s32 $0x1B8E;
	s24 =	sld [smem:$0x3FFE];
	[sflag:s23] =	ssyncadd.s32 $0xFFFFFFFF  }
0xa5: {  	s26 =	simm.s32 $execute0_lowered;
	[smem:$0x3FD2] =	sst s25  }
0xa6: {  	s5 =	sshll.u32 s26, $0x1;
	_ =	strace $0x80000049;
	[dreg:$0x1] =	wrdreg $0xFFFFFFFF  }
0xa7: {  	s28 =	simm.s32 $_size_execute0_lowered;
	s3 =	sadd.s32 s3, s5;
	[dreg:$0x0] =	wrdreg $0x0  }
0xa8: {  	s5 =	sshll.u32 s28, $0x1;
	[dreg:$0x2] =	wrdreg s3  }
0xa9: {  	[dreg:$0x3] =	wrdreg s5  }
0xaa: {  	[dreg:$0x4] =	wrdreg $0xC0  }
0xab: {  	_ =	task [dreg:s7], $0x5FFFF  }
0xac: {  	[dreg:$0x1] =	wrdreg $0xFFFFFFFF  }
0xad: {  	[dreg:$0x0] =	wrdreg $0x60  }
0xae: {  	[dreg:$0x2] =	wrdreg s24  }
0xaf: {  	[dreg:$0x3] =	wrdreg s2  }
0xb0: {  	[dreg:$0x4] =	wrdreg $0x9  }
0xb1: {  	_ =	task.clear_ibuf [dreg:s7], $0x5FFFF;
	_ =	strace $0x90000049  }
0xb2: {  	s29 =	simm.s32 $0x9;
	_ =	strace $0x8000004B  }
0xb3: {  	_ =	swait.ge [sflag:s29], $0x1  }
0xb4: {  	[sflag:s29] =	ssyncadd.s32 $0xFFFFFFFF  }
0xb5: {  	_ =	strace $0x9000004B  }
0xb6: {  	_ =	sfence  }
0xb7: {  	s30 =	sld [smem:$0x0];
	_ =	sdelay $0x2  }
0xb8: {  	s31 =	sshll.u32 s1, $0xD;
	s1 =	sshrl.u32 s1, $0x2  }
0xb9: {  	s3 =	sand.u32 $0x4000, s31;
	s1 =	sadd.s32 s1, s30  }
0xba: {  	s0 =	sor.u32 s3, s0;
	s1 =	sshll.u32 s1, $0x11  }
0xbb: {  	s0 =	sor.u32 s1, s0  }
0xbc: {  	s0 =	sadd.s32 $0x8F2B, s0  }
0xbd: {  	[sflag:s0] =	ssyncadd.remote.s32 $0x1  }
0xbe: {  	_ =	sfence.sel $0xFFFF  }
0xbf: {  	[dreg:$0x0] =	wrdreg $0xFFFFFFFF;
	(pc) =	sbr.abs _section_cstart, $3  }
0xc0: {  	[dreg:$0x1] =	wrdreg $0xFFFFFFFF  }
0xc1: {  	_ =	task.clear_ibuf [dreg:s7], $0x2FFFF;
	_ =	strace $0x9FFFFFFF  }
0xc2: {  	(tm) =	ssettm $0x7FFFFFFF  }
0xc3: {  	_ =	shalt  }
tec
execute0_lowered:
.L_overlay_start_1:
0x0: {  	(tag) =	ssettag $0x1  }
0x1: {  	s0 =	rddreg [dreg:$0x0]  }
0x2: {  	s4 =	rddreg [dreg:$0x1]  }
0x3: {  	s2 =	srdreg.scid;
	s1 =	stileid.u32;
	s16 =	simm.s32 $0x1080  }
0x4: {  	s17 =	simm.s32 $0x1880;
	s5 =	sand.u32 $0x1, s2;
	s2 =	simm.s32 $0x0  }
0x5: {  	s18 =	simm.s32 $0x2080;
	s15 =	sadd.s32 $0x2A00, s0;
	[smem:$0x7FF] =	sst s2  }
0x6: {  	s19 =	simm.s32 $0x2880;
	_ =	strace $0x8000004A;
	[dreg:$0x3] =	wrdreg s15  }
0x7: {  	s20 =	simm.s32 $0x3080;
	s22 =	simm.s32 $0x3880;
	[dreg:$0x5] =	wrdreg s16  }
0x8: {  	s23 =	simm.s32 $0x4080;
	s24 =	simm.s32 $0x4880;
	[dreg:$0x6] =	wrdreg s17  }
0x9: {  	s9 =	simm.s32 $0x5080;
	s25 =	simm.s32 $0x5880;
	[dreg:$0x7] =	wrdreg s18  }
0xa: {  	s26 =	simm.s32 $0x6080;
	s10 =	simm.s32 $0x880;
	[dreg:$0x8] =	wrdreg s19  }
0xb: {  	s12 =	simm.s32 $0x7080;
	s13 =	simm.s32 $0x7880;
	[dreg:$0x9] =	wrdreg s20  }
0xc: {  	s14 =	simm.s32 $0x8080;
	s28 =	simm.s32 $0xE880;
	[dreg:$0xa] =	wrdreg s22  }
0xd: {  	s29 =	simm.s32 $0xF080;
	s30 =	simm.s32 $0xF880;
	[dreg:$0xb] =	wrdreg s23  }
0xe: {  	s31 =	simm.s32 $0x10080;
	s3 =	sshll.u32 s1, $0x7;
	[dreg:$0xc] =	wrdreg s24  }
0xf: {  	s6 =	sshll.u32 s5, $0x6;
	s5 =	ssub.s32 $0x2, s5;
	[dreg:$0xd] =	wrdreg s9  }
0x10: {  	s3 =	sor.u32 s6, s3;
	s21 =	sshrl.u32 s5, $0x1;
	[dreg:$0xe] =	wrdreg s25  }
0x11: {  	s6 =	sadd.s32 $0x2E00, s0;
	s9 =	simm.s32 $0x2;
	[dreg:$0xf] =	wrdreg s26  }
0x12: {  	s15 =	simm.s32 $0x8880;
	s16 =	simm.s32 $0x9080;
	s17 =	simm.s32 $0x9880  }
0x13: {  	s18 =	simm.s32 $0xA080;
	s19 =	simm.s32 $0xA880;
	s20 =	simm.s32 $0xB080  }
0x14: {  	s22 =	simm.s32 $0xC080;
	s23 =	simm.s32 $0xC880;
	s24 =	simm.s32 $0xD080  }
0x15: {  	s25 =	simm.s32 $0xD880;
	s26 =	simm.s32 $0xE080;
	s7 =	sshll.u32 s3, $0x7  }
0x16: {  	v2 =	vlaneseq.u32;
	s8 =	ssub.s32 s5, s21;
	s5 =	sadd.s32 $0x2D00, s0;
	s21 =	simm.s32 $0xB880  }
0x17: {  	vm0 =	vmmov $0xffff;
	v1 =	vshrl.u32 v2, $0x3;
	s4 =	sadd.s32 s4, s7;
	s7 =	sadd.s32 $0x2F00, s0;
	s8 =	smax.u32 s8, $0x1  }
0x18: {  	v0 =	vand.u32 $0x7, v2;
	v2 =	vor.u32 $0x8, v2;
	v1 =	vmul.u32 $0x8, v1;
	[dreg:$0x4] =	wrdreg s4;
	s4 =	sadd.s32 $0x2C00, s0;
	s0 =	simm.s32 $0x1  }
.LBB2_1:
0x19: {  	s1 =	rddreg [dreg:$0x3]  }
0x1a: {  	[tilespmem:s2], [sflag:$0x2] =	stream.linear.gather [hbm4b:s1+s2], $0x800, $0x38;
	[tilespmem:$0x10880] =	vst v63  }
0x1b: {  	_ =	swait.ge [sflag:s9], $0x800  }
0x1c: {  	[sflag:s9] =	ssyncset.done $0x0  }
0x1d: {  	[sflag:s9] =	ssyncadd.s32 $0xFFFFF800  }
0x1e: {  	v3 =	vld [tilespmem:s3+$0x0];
	_ =	sdelay $0x4  }
0x1f: {  	[tilespmem:$0x800] =	vst v3  }
0x20: {  	v4 =	vld [tilespmem:s3+$0x10];
	_ =	sdelay $0x4  }
0x21: {  	[tilespmem:$0x810] =	vst v4  }
0x22: {  	v4 =	vld [tilespmem:s3+$0x20];
	_ =	sdelay $0x1  }
0x23: {  	v5 =	vshll.u32 v3, $0x3  }
0x24: {  	v3 =	vand.u32 $0x7, v3;
	v5 =	vand.u32 $0xFFFFFFC0, v5  }
0x25: {  	v3 =	vor.u32 v3, v5  }
0x26: {  	v59 =	vperm.xlane v3, v0;
	[tilespmem:$0x820] =	vst v4  }
0x27: {  	v60 =	vld [tilespmem:s3+$0x30]  }
0x28: {  	v4 =	vadd.s32 v1, v59;
	_ =	sdelay $0x3  }
0x29: {  	[tilespmem:$0x830] =	vst v60  }
0x2a: {  	[tilespmem:s10], [sflag:$0x1] =	stream.indirect_vreg.gather [hbm4b:s4+s2], $0x80, v4, vm0, $0xb8;
	[tilespmem:$0x10880] =	vst v63  }
0x2b: {  	s1 =	rddreg [dreg:$0x5];
	v3 =	vperm.xlane v3, v2  }
0x2c: {  	[tilespmem:s1], [sflag:$0x1] =	stream.indirect_vreg.gather [hbm4b:s5+s2], $0x80, v4, vm0, $0xb8;
	[tilespmem:$0x10880] =	vst v63  }
0x2d: {  	s11 =	rddreg [dreg:$0x6];
	v3 =	vadd.s32 v1, v3  }
0x2e: {  	[tilespmem:s11], [sflag:$0x1] =	stream.indirect_vreg.gather [hbm4b:s6+s2], $0x80, v4, vm0, $0xb8;
	[tilespmem:$0x10880] =	vst v63  }
0x2f: {  	s1 =	rddreg [dreg:$0x7]  }
0x30: {  	[tilespmem:s1], [sflag:$0x1] =	stream.indirect_vreg.gather [hbm4b:s7+s2], $0x80, v4, vm0, $0xb8;
	[tilespmem:$0x10880] =	vst v63  }
0x31: {  	s11 =	rddreg [dreg:$0x8]  }
0x32: {  	[tilespmem:s11], [sflag:$0x1] =	stream.indirect_vreg.gather [hbm4b:s4+s2], $0x80, v3, vm0, $0xb8;
	[tilespmem:$0x10880] =	vst v63  }
0x33: {  	s1 =	rddreg [dreg:$0x9]  }
0x34: {  	[tilespmem:s1], [sflag:$0x1] =	stream.indirect_vreg.gather [hbm4b:s5+s2], $0x80, v3, vm0, $0xb8;
	[tilespmem:$0x10880] =	vst v63  }
0x35: {  	s11 =	rddreg [dreg:$0xa]  }
0x36: {  	[tilespmem:s11], [sflag:$0x1] =	stream.indirect_vreg.gather [hbm4b:s6+s2], $0x80, v3, vm0, $0xb8;
	[tilespmem:$0x10880] =	vst v63  }
0x37: {  	s1 =	rddreg [dreg:$0xb]  }
0x38: {  	[tilespmem:s1], [sflag:$0x1] =	stream.indirect_vreg.gather [hbm4b:s7+s2], $0x80, v3, vm0, $0xb8;
	[tilespmem:$0x10880] =	vst v63  }
0x39: {  	v3 =	vld [tilespmem:$0x810];
	_ =	sdelay $0x4  }
0x3a: {  	v61 =	vshll.u32 v3, $0x3  }
0x3b: {  	v3 =	vand.u32 $0x7, v3;
	v4 =	vand.u32 $0xFFFFFFC0, v61  }
0x3c: {  	v3 =	vor.u32 v3, v4  }
0x3d: {  	v4 =	vperm.xlane v3, v0;
	_ =	sdelay $0x1  }
0x3e: {  	v4 =	vadd.s32 v1, v4;
	_ =	sdelay $0x3  }
0x3f: {  	s1 =	rddreg [dreg:$0xc]  }
0x40: {  	[tilespmem:s1], [sflag:$0x1] =	stream.indirect_vreg.gather [hbm4b:s4+s2], $0x80, v4, vm0, $0xb8;
	[tilespmem:$0x10880] =	vst v63  }
0x41: {  	s11 =	rddreg [dreg:$0xd];
	v3 =	vperm.xlane v3, v2  }
0x42: {  	[tilespmem:s11], [sflag:$0x1] =	stream.indirect_vreg.gather [hbm4b:s5+s2], $0x80, v4, vm0, $0xb8;
	[tilespmem:$0x10880] =	vst v63  }
0x43: {  	v3 =	vadd.s32 v1, v3;
	s1 =	rddreg [dreg:$0xe]  }
0x44: {  	[tilespmem:s1], [sflag:$0x1] =	stream.indirect_vreg.gather [hbm4b:s6+s2], $0x80, v4, vm0, $0xb8;
	[tilespmem:$0x10880] =	vst v63  }
0x45: {  	s11 =	rddreg [dreg:$0xf]  }
0x46: {  	[tilespmem:s11], [sflag:$0x1] =	stream.indirect_vreg.gather [hbm4b:s7+s2], $0x80, v4, vm0, $0xb8;
	[tilespmem:$0x10880] =	vst v63  }
0x47: {  	s11 =	simm.s32 $0x6880  }
0x48: {  	[tilespmem:s11], [sflag:$0x1] =	stream.indirect_vreg.gather [hbm4b:s4+s2], $0x80, v3, vm0, $0xb8;
	[tilespmem:$0x10880] =	vst v63  }
0x49: {  	_ = 	snop  }
0x4a: {  	[tilespmem:s12], [sflag:$0x1] =	stream.indirect_vreg.gather [hbm4b:s5+s2], $0x80, v3, vm0, $0xb8;
	[tilespmem:$0x10880] =	vst v63  }
0x4b: {  	_ = 	snop  }
0x4c: {  	[tilespmem:s13], [sflag:$0x1] =	stream.indirect_vreg.gather [hbm4b:s6+s2], $0x80, v3, vm0, $0xb8;
	[tilespmem:$0x10880] =	vst v63  }
0x4d: {  	_ = 	snop  }
0x4e: {  	[tilespmem:s14], [sflag:$0x1] =	stream.indirect_vreg.gather [hbm4b:s7+s2], $0x80, v3, vm0, $0xb8;
	[tilespmem:$0x10880] =	vst v63  }
0x4f: {  	v3 =	vld [tilespmem:$0x820];
	_ =	sdelay $0x4  }
0x50: {  	v62 =	vshll.u32 v3, $0x3  }
0x51: {  	v3 =	vand.u32 $0x7, v3;
	v4 =	vand.u32 $0xFFFFFFC0, v62  }
0x52: {  	v3 =	vor.u32 v3, v4  }
0x53: {  	v4 =	vperm.xlane v3, v0;
	_ =	sdelay $0x1  }
0x54: {  	v4 =	vadd.s32 v1, v4;
	_ =	sdelay $0x4  }
0x55: {  	[tilespmem:s15], [sflag:$0x1] =	stream.indirect_vreg.gather [hbm4b:s4+s2], $0x80, v4, vm0, $0xb8;
	[tilespmem:$0x10880] =	vst v63  }
0x56: {  	v3 =	vperm.xlane v3, v2  }
0x57: {  	[tilespmem:s16], [sflag:$0x1] =	stream.indirect_vreg.gather [hbm4b:s5+s2], $0x80, v4, vm0, $0xb8;
	[tilespmem:$0x10880] =	vst v63  }
0x58: {  	v3 =	vadd.s32 v1, v3  }
0x59: {  	[tilespmem:s17], [sflag:$0x1] =	stream.indirect_vreg.gather [hbm4b:s6+s2], $0x80, v4, vm0, $0xb8;
	[tilespmem:$0x10880] =	vst v63  }
0x5a: {  	_ = 	snop  }
0x5b: {  	[tilespmem:s18], [sflag:$0x1] =	stream.indirect_vreg.gather [hbm4b:s7+s2], $0x80, v4, vm0, $0xb8;
	[tilespmem:$0x10880] =	vst v63  }
0x5c: {  	_ = 	snop  }
0x5d: {  	[tilespmem:s19], [sflag:$0x1] =	stream.indirect_vreg.gather [hbm4b:s4+s2], $0x80, v3, vm0, $0xb8;
	[tilespmem:$0x10880] =	vst v63  }
0x5e: {  	_ = 	snop  }
0x5f: {  	[tilespmem:s20], [sflag:$0x1] =	stream.indirect_vreg.gather [hbm4b:s5+s2], $0x80, v3, vm0, $0xb8;
	[tilespmem:$0x10880] =	vst v63  }
0x60: {  	_ = 	snop  }
0x61: {  	[tilespmem:s21], [sflag:$0x1] =	stream.indirect_vreg.gather [hbm4b:s6+s2], $0x80, v3, vm0, $0xb8;
	[tilespmem:$0x10880] =	vst v63  }
0x62: {  	_ = 	snop  }
0x63: {  	[tilespmem:s22], [sflag:$0x1] =	stream.indirect_vreg.gather [hbm4b:s7+s2], $0x80, v3, vm0, $0xb8;
	[tilespmem:$0x10880] =	vst v63  }
0x64: {  	v3 =	vld [tilespmem:$0x830];
	_ =	sdelay $0x4  }
0x65: {  	v63 =	vshll.u32 v3, $0x3  }
0x66: {  	v3 =	vand.u32 $0x7, v3;
	v4 =	vand.u32 $0xFFFFFFC0, v63  }
0x67: {  	v3 =	vor.u32 v3, v4  }
0x68: {  	v4 =	vperm.xlane v3, v0;
	_ =	sdelay $0x1  }
0x69: {  	v4 =	vadd.s32 v1, v4;
	_ =	sdelay $0x4  }
0x6a: {  	[tilespmem:s23], [sflag:$0x1] =	stream.indirect_vreg.gather [hbm4b:s4+s2], $0x80, v4, vm0, $0xb8;
	[tilespmem:$0x10880] =	vst v63  }
0x6b: {  	v3 =	vperm.xlane v3, v2  }
0x6c: {  	[tilespmem:s24], [sflag:$0x1] =	stream.indirect_vreg.gather [hbm4b:s5+s2], $0x80, v4, vm0, $0xb8;
	[tilespmem:$0x10880] =	vst v63  }
0x6d: {  	v3 =	vadd.s32 v1, v3  }
0x6e: {  	[tilespmem:s25], [sflag:$0x1] =	stream.indirect_vreg.gather [hbm4b:s6+s2], $0x80, v4, vm0, $0xb8;
	[tilespmem:$0x10880] =	vst v63  }
0x6f: {  	_ = 	snop  }
0x70: {  	[tilespmem:s26], [sflag:$0x1] =	stream.indirect_vreg.gather [hbm4b:s7+s2], $0x80, v4, vm0, $0xb8;
	[tilespmem:$0x10880] =	vst v63  }
0x71: {  	_ = 	snop  }
0x72: {  	[tilespmem:s28], [sflag:$0x1] =	stream.indirect_vreg.gather [hbm4b:s4+s2], $0x80, v3, vm0, $0xb8;
	[tilespmem:$0x10880] =	vst v63  }
0x73: {  	_ = 	snop  }
0x74: {  	[tilespmem:s29], [sflag:$0x1] =	stream.indirect_vreg.gather [hbm4b:s5+s2], $0x80, v3, vm0, $0xb8;
	[tilespmem:$0x10880] =	vst v63  }
0x75: {  	_ = 	snop  }
0x76: {  	[tilespmem:s30], [sflag:$0x1] =	stream.indirect_vreg.gather [hbm4b:s6+s2], $0x80, v3, vm0, $0xb8;
	[tilespmem:$0x10880] =	vst v63  }
0x77: {  	_ = 	snop  }
0x78: {  	[tilespmem:s31], [sflag:$0x1] =	stream.indirect_vreg.gather [hbm4b:s7+s2], $0x80, v3, vm0, $0xb8;
	[tilespmem:$0x10880] =	vst v63  }
0x79: {  	_ =	swait.ge [sflag:s0], $0x10000  }
0x7a: {  	p0 =	sne.s32 s8, $0x1;
	[sflag:s0] =	ssyncset.done $0x0  }
.Ltmp0:
0x7b: {  	s11 =	rddreg [dreg:$0x4];
	[sflag:s0] =	ssyncadd.s32 $0xFFFF0000;
	(pc) =	sbr.rel @p0 .LBB2_1-.Ltmp0, $4  }
0x7c: {  	[hbm4b:s11+s2] =	stream.linear.scatter [tilespmem:s10], [sflag:$0x2], $0x10000, $0x38;
	[tilespmem:$0x10880] =	vst v63  }
0x7d: {  	_ =	swait.ge [sflag:s9], $0x10000  }
0x7e: {  	[sflag:s9] =	ssyncset.done $0x0  }
0x7f: {  	s8 =	sadd.s32 $0xFFFFFFFF, s8;
	[sflag:s9] =	ssyncadd.s32 $0xFFFF0000  }
0x80: {  	_ =	sfence.sel $0x180000  }
0x81: {  	[bflag:$0x0] =	sbarrier.arrive $0xFFFF  }
0x82: {  	_ =	strace $0x9000004A  }
0x83: {  	s0 =	stileid.u32;
	[bflag:$0x2] =	sbarrier.arrive $0xFFFF  }
0x84: {  	p0 =	sne.s32 s0, $0x0;
	s0 =	rddreg [dreg:$0x2]  }
0x85: {  	s0 =	sadd.s32 @!p0 $0x100000, s0  }
0x86: {  	[sflag:s0] =	ssyncadd.tile.s32 @!p0 $0x1;
	_ =	shalt  }
.Lfunc_end2:
_tile_overlayer_lowered:
.L_overlay_start_2:
0x87: {  	(tag) =	ssettag $0x2  }
0x88: {  	s0 =	rddreg [dreg:$0x0];
	s2 =	stileid.u32  }
0x89: {  	s1 =	rddreg [dreg:$0x1];
	p0 =	sne.s32 s2, $0x0  }
0x8a: {  	s3 =	rddreg [dreg:$0x2];
	[bflag:$0x3] =	sbarrier.arrive $0xFFFF;
	s2 =	simm.s32 @!p0 $0x1C02  }
0x8b: {  	[timem:s3], [sflag:s2] =	dma.local @!p0 [hbm:s0], s1  }
0x8c: {  	s0 =	simm.s32 @!p0 $0x2  }
0x8d: {  	_ =	swait.ge @!p0 [sflag:s0], s1  }
0x8e: {  	s1 =	ssub.s32 @!p0 $0x0, s1;
	[sflag:s0] =	ssyncset.done @!p0 $0x0  }
0x8f: {  	[sflag:s0] =	ssyncadd.s32 @!p0 s1  }
0x90: {  	[bflag:$0x3] =	sbarrier.arrive $0xFFFF  }
0x91: {  	_ =	shalt  }

// kernel: kernel.9.cloned.1.call-start
scs
__scs_entry_jumppad:
0x0: {  	(pc) =	sbr.rel $0x88, $3  }
0x1: {  	(tag) =	ssettag $0x0;
	lr =	simm.s32 $0x1  }
0x2: {  	[smem:$0x3F8E] =	sst lr;
	_ =	strace $0xD0000000  }
0x3: {  	_ = 	snop  }
0x4: {  	_ = 	snop  }
0x5: {  	_ = 	snop  }
0x6: {  	_ = 	snop  }
0x7: {  	_ = 	snop  }
__scs_overlays_trampoline_lowered:
0x8: {  	[smem:$0x3F9D] =	sst s0  }
0x9: {  	[smem:$0x3F9E] =	sst s1  }
0xa: {  	[smem:$0x3F9F] =	sst s2  }
0xb: {  	[smem:$0x3FA0] =	sst s3  }
0xc: {  	[smem:$0x3FA1] =	sst s4  }
0xd: {  	[smem:$0x3FA2] =	sst s5  }
0xe: {  	[smem:$0x3FA3] =	sst s6  }
0xf: {  	[smem:$0x3FA4] =	sst s7  }
0x10: {  	[smem:$0x3FA5] =	sst s8  }
0x11: {  	[smem:$0x3FA6] =	sst s9;
	s0 =	simm.s32 @!p0 $0x0  }
0x12: {  	s1 =	sld [smem:$0x3F8C];
	s0 =	simm.s32 @p0 $0x1  }
0x13: {  	[smem:$0x3FA7] =	sst s0;
	s0 =	simm.s32 @!p1 $0x0  }
0x14: {  	s2 =	sld [smem:$0x3F8B];
	s0 =	simm.s32 @p1 $0x1  }
0x15: {  	[smem:$0x3FA8] =	sst s0;
	s0 =	simm.s32 @!p2 $0x0  }
0x16: {  	s3 =	sld [smem:$0x3FDB];
	s0 =	simm.s32 @p2 $0x1  }
0x17: {  	s4 =	simm.s32 $0x1BF5;
	[smem:$0x3FAA] =	sst s0  }
0x18: {  	s0 =	sld [smem:$0x3F8D];
	_ =	swait.ge [sflag:s4], $0x0  }
0x19: {  	s7 =	sld [smem:$0x3F8E]  }
0x1a: {  	s8 =	sadd.s32 $0xFFFFE003, lr  }
0x1b: {  	s9 =	sadd.s32 $0xFFFFFEF7, lr;
	s5 =	simm.s32 $0xFFFFFFFF;
	p2 =	slt.u32 s8, $0xFFFFF086  }
0x1c: {  	p1 =	slt.u32 s9, $0xF7A;
	s5 =	simm.s32 @!p2 $0x0  }
0x1d: {  	s5 =	simm.s32 @p1 $0x1;
	p0 =	seq.s32 s7, s2  }
0x1e: {  	s7 =	smul.u32 @!p0 $0xF7A, s2;
	p2 =	seq.s32 @!p0 s5, $0x0  }
0x1f: {  	s9 =	smul.u32 $0xF7A, s1;
	s8 =	simm.s32 @!p0 $0x1BF5;
	p2 =	por !p2, p0  }
0x20: {  	[sflag:s8] =	ssyncset.s32 @!p0 $0xFFFFF086;
	s6 =	sadd.s32 @!p0 s3, s7;
	s7 =	simm.s32 @!p0 $0x108  }
0x21: {  	s3 =	sadd.s32 s3, s9;
	s6 =	sadd.s32 @!p0 $0x88, s6;
	s7 =	simm.s32 @p2 $0x1082  }
0x22: {  	[simem:s7], [sflag:s8] =	dma.local @!p0 [hbm:s6], $0xF7A  }
0x23: {  	s9 =	sor.u32 $0xD0000000, s2;
	s6 =	simm.s32 $0x108;
	_ =	swait.ge @!p0 [sflag:s8], $0x0  }
0x24: {  	s3 =	sadd.s32 $0x88, s3;
	s6 =	simm.s32 @!p1 $0x1082;
	[sflag:s4] =	ssyncset.s32 $0xFFFFF086  }
0x25: {  	[simem:s6], [sflag:s4] =	dma.local [hbm:s3], $0xF7A  }
0x26: {  	[smem:$0x3F8E] =	sst s1;
	(tag) =	ssettag s2;
	_ =	strace s9  }
0x27: {  	s1 =	sld [smem:$0x3F9E]  }
0x28: {  	s2 =	sld [smem:$0x3F9F]  }
0x29: {  	s4 =	sld [smem:$0x3FA1]  }
0x2a: {  	p0 =	seq.s32 s5, $0x0;
	s5 =	sld [smem:$0x3FA2]  }
0x2b: {  	s6 =	sld [smem:$0x3FA3]  }
0x2c: {  	s7 =	sld [smem:$0x3FA4]  }
0x2d: {  	s3 =	simm.s32 $0x108;
	s8 =	sld [smem:$0x3FA5]  }
0x2e: {  	s3 =	simm.s32 @!p0 $0x1082;
	s9 =	sld [smem:$0x3FA6]  }
0x2f: {  	lr =	sadd.s32 s0, s3;
	s0 =	sld [smem:$0x3F9D]  }
0x30: {  	s3 =	sld [smem:$0x3FA0]  }
0x31: {  	[smem:$0x3FA9] =	sst s10  }
0x32: {  	s10 =	sld [smem:$0x3FA7];
	_ =	sdelay $0x3  }
0x33: {  	p0 =	seq.s32 s10, $0x1;
	s10 =	sld [smem:$0x3FA9];
	_ =	sdelay $0x3  }
0x34: {  	[smem:$0x3FA9] =	sst s10  }
0x35: {  	s10 =	sld [smem:$0x3FA8];
	_ =	sdelay $0x3  }
0x36: {  	p1 =	seq.s32 s10, $0x1;
	s10 =	sld [smem:$0x3FA9];
	_ =	sdelay $0x3  }
0x37: {  	[smem:$0x3FA9] =	sst s10  }
0x38: {  	s10 =	sld [smem:$0x3FAA]  }
0x39: {  	_ = 	snop;
	(pc) =	sbr.ind lr, $3  }
0x3a: {  	_ = 	snop  }
0x3b: {  	_ = 	snop  }
0x3c: {  	p2 =	seq.s32 s10, $0x1;
	s10 =	sld [smem:$0x3FA9]  }
0x3d: {  	_ =	shalt  }
0x3e: {  	_ =	shalt  }
0x3f: {  	_ =	shalt  }
0x40: {  	_ =	shalt  }
0x41: {  	_ =	shalt  }
0x42: {  	_ =	shalt  }
0x43: {  	_ =	shalt  }
0x44: {  	_ =	shalt  }
0x45: {  	_ =	shalt  }
0x46: {  	_ =	shalt  }
0x47: {  	_ =	shalt  }
0x48: {  	_ =	shalt  }
0x49: {  	_ =	shalt  }
0x4a: {  	_ =	shalt  }
0x4b: {  	_ =	shalt  }
0x4c: {  	_ =	shalt  }
0x4d: {  	_ =	shalt  }
0x4e: {  	_ =	shalt  }
0x4f: {  	_ =	shalt  }
0x50: {  	_ =	shalt  }
0x51: {  	_ =	shalt  }
0x52: {  	_ =	shalt  }
0x53: {  	_ =	shalt  }
0x54: {  	_ =	shalt  }
0x55: {  	_ =	shalt  }
0x56: {  	_ =	shalt  }
0x57: {  	_ =	shalt  }
0x58: {  	_ =	shalt  }
0x59: {  	_ =	shalt  }
0x5a: {  	_ =	shalt  }
0x5b: {  	_ =	shalt  }
0x5c: {  	_ =	shalt  }
0x5d: {  	_ =	shalt  }
0x5e: {  	_ =	shalt  }
0x5f: {  	_ =	shalt  }
0x60: {  	_ =	shalt  }
0x61: {  	_ =	shalt  }
0x62: {  	_ =	shalt  }
0x63: {  	_ =	shalt  }
0x64: {  	_ =	shalt  }
0x65: {  	_ =	shalt  }
0x66: {  	_ =	shalt  }
0x67: {  	_ =	shalt  }
0x68: {  	_ =	shalt  }
0x69: {  	_ =	shalt  }
0x6a: {  	_ =	shalt  }
0x6b: {  	_ =	shalt  }
0x6c: {  	_ =	shalt  }
0x6d: {  	_ =	shalt  }
0x6e: {  	_ =	shalt  }
0x6f: {  	_ =	shalt  }
0x70: {  	_ =	shalt  }
0x71: {  	_ =	shalt  }
0x72: {  	_ =	shalt  }
0x73: {  	_ =	shalt  }
0x74: {  	_ =	shalt  }
0x75: {  	_ =	shalt  }
0x76: {  	_ =	shalt  }
0x77: {  	_ =	shalt  }
0x78: {  	_ =	shalt  }
0x79: {  	_ =	shalt  }
0x7a: {  	_ =	shalt  }
0x7b: {  	_ =	shalt  }
0x7c: {  	_ =	shalt  }
0x7d: {  	_ =	shalt  }
0x7e: {  	_ =	shalt  }
0x7f: {  	_ =	shalt  }
0x80: {  	_ =	shalt  }
0x81: {  	_ =	shalt  }
0x82: {  	_ =	shalt  }
0x83: {  	_ =	shalt  }
0x84: {  	_ =	shalt  }
0x85: {  	_ =	shalt  }
0x86: {  	_ =	shalt  }
0x87: {  	_ =	shalt  }
.Lfunc_end0:
.L_simem_size_0:
called_computation_lowered:
.L_overlay_start_0:
0x88: {  	s2 =	sld [smem:$0x3FD9]  }
0x89: {  	s3 =	sld [smem:$0x3FFE];
	_ =	sdelay $0x1  }
0x8a: {  	s1 =	srdreg.scid  }
0x8b: {  	s0 =	sand.u32 $0x1, s1  }
0x8c: {  	s17 =	sshll.u32 s0, $0xA;
	s2 =	sadd.s32 s3, s2  }
0x8d: {  	s2 =	sadd.s32 s2, s17  }
0x8e: {  	[smem:$0x3FB5] =	sst s2  }
0x8f: {  	_ = 	snop  }
0x90: {  	s2 =	sld [smem:$0x3FD0];
	(tm) =	ssettm $0x1  }
0x91: {  	s18 =	sld [smem:$0x3FFB];
	_ =	sdelay $0x3  }
0x92: {  	_ =	strace s18  }
0x93: {  	s3 =	sld [smem:$0x3FFC];
	_ =	sdelay $0x3  }
0x94: {  	_ =	strace s3  }
0x95: {  	s3 =	sld [smem:$0x3FFD];
	_ =	sdelay $0x3  }
0x96: {  	_ =	strace s3  }
0x97: {  	_ =	strace $0x8FFFFFFF  }
0x98: {  	s19 =	sld [smem:$0x3FDB];
	_ =	sdelay $0x1  }
0x99: {  	s4 =	simm.s32 $_scs_section_size  }
0x9a: {  	s5 =	simm.s32 $_size__tile_overlayer_lowered;
	s6 =	simm.s32 $_tile_overlayer_lowered  }
0x9b: {  	s22 =	simm.s32 $0x1BFF;
	s21 =	sshll.u32 s6, $0x1;
	s3 =	sadd.s32 s4, s19  }
0x9c: {  	s7 =	simm.s32 $0x0;
	s20 =	sshll.u32 s5, $0x1;
	s5 =	sadd.s32 s21, s3  }
0x9d: {  	[timem:s7], [sflag:s22] =	dma.local [hbm:s5], s20  }
0x9e: {  	_ =	swait.ge [sflag:s22], s20  }
0x9f: {  	s4 =	ssub.s32 $0x0, s20;
	[sflag:s22] =	ssyncset.done $0x0  }
0xa0: {  	[sflag:s22] =	ssyncadd.s32 s4;
	_ =	sdelay $0x1  }
0xa1: {  	s23 =	simm.s32 $0x1B8B  }
0xa2: {  	_ =	swait.ge [sflag:s23], $0x1  }
0xa3: {  	[sflag:s23] =	ssyncset.done $0x0  }
0xa4: {  	s25 =	simm.s32 $0x1B8E;
	s24 =	sld [smem:$0x3FFE];
	[sflag:s23] =	ssyncadd.s32 $0xFFFFFFFF  }
0xa5: {  	s26 =	simm.s32 $execute0_lowered;
	[smem:$0x3FD2] =	sst s25  }
0xa6: {  	s5 =	sshll.u32 s26, $0x1;
	_ =	strace $0x80000046;
	[dreg:$0x1] =	wrdreg $0xFFFFFFFF  }
0xa7: {  	s28 =	simm.s32 $_size_execute0_lowered;
	s3 =	sadd.s32 s3, s5;
	[dreg:$0x0] =	wrdreg $0x0  }
0xa8: {  	s5 =	sshll.u32 s28, $0x1;
	[dreg:$0x2] =	wrdreg s3  }
0xa9: {  	[dreg:$0x3] =	wrdreg s5  }
0xaa: {  	[dreg:$0x4] =	wrdreg $0xC0  }
0xab: {  	_ =	task [dreg:s7], $0x5FFFF  }
0xac: {  	[dreg:$0x1] =	wrdreg $0xFFFFFFFF  }
0xad: {  	[dreg:$0x0] =	wrdreg $0x60  }
0xae: {  	[dreg:$0x2] =	wrdreg s24  }
0xaf: {  	[dreg:$0x3] =	wrdreg s2  }
0xb0: {  	[dreg:$0x4] =	wrdreg $0x9  }
0xb1: {  	_ =	task.clear_ibuf [dreg:s7], $0x5FFFF;
	_ =	strace $0x90000046  }
0xb2: {  	s29 =	simm.s32 $0x9;
	_ =	strace $0x80000048  }
0xb3: {  	_ =	swait.ge [sflag:s29], $0x1  }
0xb4: {  	[sflag:s29] =	ssyncadd.s32 $0xFFFFFFFF  }
0xb5: {  	_ =	strace $0x90000048  }
0xb6: {  	_ =	sfence  }
0xb7: {  	s30 =	sld [smem:$0x0];
	_ =	sdelay $0x2  }
0xb8: {  	s31 =	sshll.u32 s1, $0xD;
	s1 =	sshrl.u32 s1, $0x2  }
0xb9: {  	s3 =	sand.u32 $0x4000, s31;
	s1 =	sadd.s32 s1, s30  }
0xba: {  	s0 =	sor.u32 s3, s0;
	s1 =	sshll.u32 s1, $0x11  }
0xbb: {  	s0 =	sor.u32 s1, s0  }
0xbc: {  	s0 =	sadd.s32 $0x8F2B, s0  }
0xbd: {  	[sflag:s0] =	ssyncadd.remote.s32 $0x1  }
0xbe: {  	_ =	sfence.sel $0xFFFF  }
0xbf: {  	[dreg:$0x0] =	wrdreg $0xFFFFFFFF;
	(pc) =	sbr.abs _section_cstart, $3  }
0xc0: {  	[dreg:$0x1] =	wrdreg $0xFFFFFFFF  }
0xc1: {  	_ =	task.clear_ibuf [dreg:s7], $0x2FFFF;
	_ =	strace $0x9FFFFFFF  }
0xc2: {  	(tm) =	ssettm $0x7FFFFFFF  }
0xc3: {  	_ =	shalt  }
tec
execute0_lowered:
.L_overlay_start_1:
0x0: {  	(tag) =	ssettag $0x1  }
0x1: {  	s0 =	rddreg [dreg:$0x0]  }
0x2: {  	s4 =	rddreg [dreg:$0x1]  }
0x3: {  	s2 =	srdreg.scid;
	s1 =	stileid.u32;
	s16 =	simm.s32 $0x1080  }
0x4: {  	s17 =	simm.s32 $0x1880;
	s5 =	sand.u32 $0x1, s2;
	s2 =	simm.s32 $0x0  }
0x5: {  	s18 =	simm.s32 $0x2080;
	s15 =	sadd.s32 $0x2800, s0;
	[smem:$0x7FF] =	sst s2  }
0x6: {  	s19 =	simm.s32 $0x2880;
	_ =	strace $0x80000047;
	[dreg:$0x3] =	wrdreg s15  }
0x7: {  	s20 =	simm.s32 $0x3080;
	s22 =	simm.s32 $0x3880;
	[dreg:$0x5] =	wrdreg s16  }
0x8: {  	s23 =	simm.s32 $0x4080;
	s24 =	simm.s32 $0x4880;
	[dreg:$0x6] =	wrdreg s17  }
0x9: {  	s9 =	simm.s32 $0x5080;
	s25 =	simm.s32 $0x5880;
	[dreg:$0x7] =	wrdreg s18  }
0xa: {  	s26 =	simm.s32 $0x6080;
	s10 =	simm.s32 $0x880;
	[dreg:$0x8] =	wrdreg s19  }
0xb: {  	s12 =	simm.s32 $0x7080;
	s13 =	simm.s32 $0x7880;
	[dreg:$0x9] =	wrdreg s20  }
0xc: {  	s14 =	simm.s32 $0x8080;
	s28 =	simm.s32 $0xE880;
	[dreg:$0xa] =	wrdreg s22  }
0xd: {  	s29 =	simm.s32 $0xF080;
	s30 =	simm.s32 $0xF880;
	[dreg:$0xb] =	wrdreg s23  }
0xe: {  	s31 =	simm.s32 $0x10080;
	s3 =	sshll.u32 s1, $0x7;
	[dreg:$0xc] =	wrdreg s24  }
0xf: {  	s6 =	sshll.u32 s5, $0x6;
	s5 =	ssub.s32 $0x2, s5;
	[dreg:$0xd] =	wrdreg s9  }
0x10: {  	s3 =	sor.u32 s6, s3;
	s21 =	sshrl.u32 s5, $0x1;
	[dreg:$0xe] =	wrdreg s25  }
0x11: {  	s6 =	sadd.s32 $0x2E00, s0;
	s9 =	simm.s32 $0x2;
	[dreg:$0xf] =	wrdreg s26  }
0x12: {  	s15 =	simm.s32 $0x8880;
	s16 =	simm.s32 $0x9080;
	s17 =	simm.s32 $0x9880  }
0x13: {  	s18 =	simm.s32 $0xA080;
	s19 =	simm.s32 $0xA880;
	s20 =	simm.s32 $0xB080  }
0x14: {  	s22 =	simm.s32 $0xC080;
	s23 =	simm.s32 $0xC880;
	s24 =	simm.s32 $0xD080  }
0x15: {  	s25 =	simm.s32 $0xD880;
	s26 =	simm.s32 $0xE080;
	s7 =	sshll.u32 s3, $0x7  }
0x16: {  	v2 =	vlaneseq.u32;
	s8 =	ssub.s32 s5, s21;
	s5 =	sadd.s32 $0x2D00, s0;
	s21 =	simm.s32 $0xB880  }
0x17: {  	vm0 =	vmmov $0xffff;
	v1 =	vshrl.u32 v2, $0x3;
	s4 =	sadd.s32 s4, s7;
	s7 =	sadd.s32 $0x2F00, s0;
	s8 =	smax.u32 s8, $0x1  }
0x18: {  	v0 =	vand.u32 $0x7, v2;
	v2 =	vor.u32 $0x8, v2;
	v1 =	vmul.u32 $0x8, v1;
	[dreg:$0x4] =	wrdreg s4;
	s4 =	sadd.s32 $0x2C00, s0;
	s0 =	simm.s32 $0x1  }
.LBB2_1:
0x19: {  	s1 =	rddreg [dreg:$0x3]  }
0x1a: {  	[tilespmem:s2], [sflag:$0x2] =	stream.linear.gather [hbm4b:s1+s2], $0x800, $0x38;
	[tilespmem:$0x10880] =	vst v63  }
0x1b: {  	_ =	swait.ge [sflag:s9], $0x800  }
0x1c: {  	[sflag:s9] =	ssyncset.done $0x0  }
0x1d: {  	[sflag:s9] =	ssyncadd.s32 $0xFFFFF800  }
0x1e: {  	v3 =	vld [tilespmem:s3+$0x0];
	_ =	sdelay $0x4  }
0x1f: {  	[tilespmem:$0x800] =	vst v3  }
0x20: {  	v3 =	vld [tilespmem:s3+$0x10];
	_ =	sdelay $0x4  }
0x21: {  	[tilespmem:$0x810] =	vst v3  }
0x22: {  	v3 =	vld [tilespmem:s3+$0x20];
	_ =	sdelay $0x4  }
0x23: {  	[tilespmem:$0x820] =	vst v3  }
0x24: {  	v3 =	vld [tilespmem:s3+$0x30];
	_ =	sdelay $0x4  }
0x25: {  	s11 =	rddreg [dreg:$0x4];
	[tilespmem:$0x830] =	vst v3  }
0x26: {  	[tilespmem:s10], [sflag:$0x2] =	stream.linear.gather [hbm4b:s11+s2], $0x10000, $0x38;
	[tilespmem:$0x10880] =	vst v63  }
0x27: {  	_ =	swait.ge [sflag:s9], $0x10000  }
0x28: {  	[sflag:s9] =	ssyncset.done $0x0  }
0x29: {  	[sflag:s9] =	ssyncadd.s32 $0xFFFF0000  }
0x2a: {  	v3 =	vld [tilespmem:$0x800];
	_ =	sdelay $0x4  }
0x2b: {  	v4 =	vshll.u32 v3, $0x3  }
0x2c: {  	v3 =	vand.u32 $0x7, v3;
	v4 =	vand.u32 $0xFFFFFFC0, v4  }
0x2d: {  	v3 =	vor.u32 v3, v4  }
0x2e: {  	v4 =	vperm.xlane v3, v0;
	_ =	sdelay $0x1  }
0x2f: {  	v4 =	vadd.s32 v1, v4;
	_ =	sdelay $0x4  }
0x30: {  	[hbm4b:s4+s2] =	stream.indirect_vreg.scatter [tilespmem:s10], [sflag:$0x1], $0x80, v4, vm0, $0xb8;
	[tilespmem:$0x10880] =	vst v63  }
0x31: {  	s1 =	rddreg [dreg:$0x5];
	v3 =	vperm.xlane v3, v2  }
0x32: {  	[hbm4b:s5+s2] =	stream.indirect_vreg.scatter [tilespmem:s1], [sflag:$0x1], $0x80, v4, vm0, $0xb8;
	[tilespmem:$0x10880] =	vst v63  }
0x33: {  	s11 =	rddreg [dreg:$0x6];
	v3 =	vadd.s32 v1, v3  }
0x34: {  	[hbm4b:s6+s2] =	stream.indirect_vreg.scatter [tilespmem:s11], [sflag:$0x1], $0x80, v4, vm0, $0xb8;
	[tilespmem:$0x10880] =	vst v63  }
0x35: {  	s1 =	rddreg [dreg:$0x7]  }
0x36: {  	[hbm4b:s7+s2] =	stream.indirect_vreg.scatter [tilespmem:s1], [sflag:$0x1], $0x80, v4, vm0, $0xb8;
	[tilespmem:$0x10880] =	vst v63  }
0x37: {  	s11 =	rddreg [dreg:$0x8]  }
0x38: {  	[hbm4b:s4+s2] =	stream.indirect_vreg.scatter [tilespmem:s11], [sflag:$0x1], $0x80, v3, vm0, $0xb8;
	[tilespmem:$0x10880] =	vst v63  }
0x39: {  	s1 =	rddreg [dreg:$0x9]  }
0x3a: {  	[hbm4b:s5+s2] =	stream.indirect_vreg.scatter [tilespmem:s1], [sflag:$0x1], $0x80, v3, vm0, $0xb8;
	[tilespmem:$0x10880] =	vst v63  }
0x3b: {  	s11 =	rddreg [dreg:$0xa]  }
0x3c: {  	[hbm4b:s6+s2] =	stream.indirect_vreg.scatter [tilespmem:s11], [sflag:$0x1], $0x80, v3, vm0, $0xb8;
	[tilespmem:$0x10880] =	vst v63  }
0x3d: {  	s1 =	rddreg [dreg:$0xb]  }
0x3e: {  	[hbm4b:s7+s2] =	stream.indirect_vreg.scatter [tilespmem:s1], [sflag:$0x1], $0x80, v3, vm0, $0xb8;
	[tilespmem:$0x10880] =	vst v63  }
0x3f: {  	v3 =	vld [tilespmem:$0x810];
	_ =	sdelay $0x4  }
0x40: {  	v61 =	vshll.u32 v3, $0x3  }
0x41: {  	v3 =	vand.u32 $0x7, v3;
	v4 =	vand.u32 $0xFFFFFFC0, v61  }
0x42: {  	v3 =	vor.u32 v3, v4  }
0x43: {  	v4 =	vperm.xlane v3, v0;
	_ =	sdelay $0x1  }
0x44: {  	v4 =	vadd.s32 v1, v4;
	_ =	sdelay $0x3  }
0x45: {  	s1 =	rddreg [dreg:$0xc]  }
0x46: {  	[hbm4b:s4+s2] =	stream.indirect_vreg.scatter [tilespmem:s1], [sflag:$0x1], $0x80, v4, vm0, $0xb8;
	[tilespmem:$0x10880] =	vst v63  }
0x47: {  	s11 =	rddreg [dreg:$0xd];
	v3 =	vperm.xlane v3, v2  }
0x48: {  	[hbm4b:s5+s2] =	stream.indirect_vreg.scatter [tilespmem:s11], [sflag:$0x1], $0x80, v4, vm0, $0xb8;
	[tilespmem:$0x10880] =	vst v63  }
0x49: {  	v3 =	vadd.s32 v1, v3;
	s1 =	rddreg [dreg:$0xe]  }
0x4a: {  	[hbm4b:s6+s2] =	stream.indirect_vreg.scatter [tilespmem:s1], [sflag:$0x1], $0x80, v4, vm0, $0xb8;
	[tilespmem:$0x10880] =	vst v63  }
0x4b: {  	s11 =	rddreg [dreg:$0xf]  }
0x4c: {  	[hbm4b:s7+s2] =	stream.indirect_vreg.scatter [tilespmem:s11], [sflag:$0x1], $0x80, v4, vm0, $0xb8;
	[tilespmem:$0x10880] =	vst v63  }
0x4d: {  	s11 =	simm.s32 $0x6880  }
0x4e: {  	[hbm4b:s4+s2] =	stream.indirect_vreg.scatter [tilespmem:s11], [sflag:$0x1], $0x80, v3, vm0, $0xb8;
	[tilespmem:$0x10880] =	vst v63  }
0x4f: {  	_ = 	snop  }
0x50: {  	[hbm4b:s5+s2] =	stream.indirect_vreg.scatter [tilespmem:s12], [sflag:$0x1], $0x80, v3, vm0, $0xb8;
	[tilespmem:$0x10880] =	vst v63  }
0x51: {  	_ = 	snop  }
0x52: {  	[hbm4b:s6+s2] =	stream.indirect_vreg.scatter [tilespmem:s13], [sflag:$0x1], $0x80, v3, vm0, $0xb8;
	[tilespmem:$0x10880] =	vst v63  }
0x53: {  	_ = 	snop  }
0x54: {  	[hbm4b:s7+s2] =	stream.indirect_vreg.scatter [tilespmem:s14], [sflag:$0x1], $0x80, v3, vm0, $0xb8;
	[tilespmem:$0x10880] =	vst v63  }
0x55: {  	v3 =	vld [tilespmem:$0x820];
	_ =	sdelay $0x4  }
0x56: {  	v62 =	vshll.u32 v3, $0x3  }
0x57: {  	v3 =	vand.u32 $0x7, v3;
	v4 =	vand.u32 $0xFFFFFFC0, v62  }
0x58: {  	v3 =	vor.u32 v3, v4  }
0x59: {  	v4 =	vperm.xlane v3, v0;
	_ =	sdelay $0x1  }
0x5a: {  	v4 =	vadd.s32 v1, v4;
	_ =	sdelay $0x4  }
0x5b: {  	[hbm4b:s4+s2] =	stream.indirect_vreg.scatter [tilespmem:s15], [sflag:$0x1], $0x80, v4, vm0, $0xb8;
	[tilespmem:$0x10880] =	vst v63  }
0x5c: {  	v3 =	vperm.xlane v3, v2  }
0x5d: {  	[hbm4b:s5+s2] =	stream.indirect_vreg.scatter [tilespmem:s16], [sflag:$0x1], $0x80, v4, vm0, $0xb8;
	[tilespmem:$0x10880] =	vst v63  }
0x5e: {  	v3 =	vadd.s32 v1, v3  }
0x5f: {  	[hbm4b:s6+s2] =	stream.indirect_vreg.scatter [tilespmem:s17], [sflag:$0x1], $0x80, v4, vm0, $0xb8;
	[tilespmem:$0x10880] =	vst v63  }
0x60: {  	_ = 	snop  }
0x61: {  	[hbm4b:s7+s2] =	stream.indirect_vreg.scatter [tilespmem:s18], [sflag:$0x1], $0x80, v4, vm0, $0xb8;
	[tilespmem:$0x10880] =	vst v63  }
0x62: {  	_ = 	snop  }
0x63: {  	[hbm4b:s4+s2] =	stream.indirect_vreg.scatter [tilespmem:s19], [sflag:$0x1], $0x80, v3, vm0, $0xb8;
	[tilespmem:$0x10880] =	vst v63  }
0x64: {  	_ = 	snop  }
0x65: {  	[hbm4b:s5+s2] =	stream.indirect_vreg.scatter [tilespmem:s20], [sflag:$0x1], $0x80, v3, vm0, $0xb8;
	[tilespmem:$0x10880] =	vst v63  }
0x66: {  	_ = 	snop  }
0x67: {  	[hbm4b:s6+s2] =	stream.indirect_vreg.scatter [tilespmem:s21], [sflag:$0x1], $0x80, v3, vm0, $0xb8;
	[tilespmem:$0x10880] =	vst v63  }
0x68: {  	_ = 	snop  }
0x69: {  	[hbm4b:s7+s2] =	stream.indirect_vreg.scatter [tilespmem:s22], [sflag:$0x1], $0x80, v3, vm0, $0xb8;
	[tilespmem:$0x10880] =	vst v63  }
0x6a: {  	v3 =	vld [tilespmem:$0x830];
	_ =	sdelay $0x4  }
0x6b: {  	v63 =	vshll.u32 v3, $0x3  }
0x6c: {  	v3 =	vand.u32 $0x7, v3;
	v4 =	vand.u32 $0xFFFFFFC0, v63  }
0x6d: {  	v3 =	vor.u32 v3, v4  }
0x6e: {  	v4 =	vperm.xlane v3, v0;
	_ =	sdelay $0x1  }
0x6f: {  	v4 =	vadd.s32 v1, v4;
	_ =	sdelay $0x4  }
0x70: {  	[hbm4b:s4+s2] =	stream.indirect_vreg.scatter [tilespmem:s23], [sflag:$0x1], $0x80, v4, vm0, $0xb8;
	[tilespmem:$0x10880] =	vst v63  }
0x71: {  	v3 =	vperm.xlane v3, v2  }
0x72: {  	[hbm4b:s5+s2] =	stream.indirect_vreg.scatter [tilespmem:s24], [sflag:$0x1], $0x80, v4, vm0, $0xb8;
	[tilespmem:$0x10880] =	vst v63  }
0x73: {  	v3 =	vadd.s32 v1, v3  }
0x74: {  	[hbm4b:s6+s2] =	stream.indirect_vreg.scatter [tilespmem:s25], [sflag:$0x1], $0x80, v4, vm0, $0xb8;
	[tilespmem:$0x10880] =	vst v63  }
0x75: {  	_ = 	snop  }
0x76: {  	[hbm4b:s7+s2] =	stream.indirect_vreg.scatter [tilespmem:s26], [sflag:$0x1], $0x80, v4, vm0, $0xb8;
	[tilespmem:$0x10880] =	vst v63  }
0x77: {  	_ = 	snop  }
0x78: {  	[hbm4b:s4+s2] =	stream.indirect_vreg.scatter [tilespmem:s28], [sflag:$0x1], $0x80, v3, vm0, $0xb8;
	[tilespmem:$0x10880] =	vst v63  }
0x79: {  	_ = 	snop  }
0x7a: {  	[hbm4b:s5+s2] =	stream.indirect_vreg.scatter [tilespmem:s29], [sflag:$0x1], $0x80, v3, vm0, $0xb8;
	[tilespmem:$0x10880] =	vst v63  }
0x7b: {  	p0 =	sne.s32 s8, $0x1  }
0x7c: {  	[hbm4b:s6+s2] =	stream.indirect_vreg.scatter [tilespmem:s30], [sflag:$0x1], $0x80, v3, vm0, $0xb8;
	[tilespmem:$0x10880] =	vst v63  }
.Ltmp0:
0x7d: {  	_ = 	snop;
	(pc) =	sbr.rel @p0 .LBB2_1-.Ltmp0, $4  }
0x7e: {  	[hbm4b:s7+s2] =	stream.indirect_vreg.scatter [tilespmem:s31], [sflag:$0x1], $0x80, v3, vm0, $0xb8;
	[tilespmem:$0x10880] =	vst v63  }
0x7f: {  	_ =	swait.ge [sflag:s0], $0x10000  }
0x80: {  	[sflag:s0] =	ssyncset.done $0x0  }
0x81: {  	s8 =	sadd.s32 $0xFFFFFFFF, s8;
	[sflag:s0] =	ssyncadd.s32 $0xFFFF0000  }
0x82: {  	_ =	sfence.sel $0x180000  }
0x83: {  	[bflag:$0x0] =	sbarrier.arrive $0xFFFF  }
0x84: {  	_ =	strace $0x90000047  }
0x85: {  	s0 =	stileid.u32;
	[bflag:$0x2] =	sbarrier.arrive $0xFFFF  }
0x86: {  	p0 =	sne.s32 s0, $0x0;
	s0 =	rddreg [dreg:$0x2]  }
0x87: {  	s0 =	sadd.s32 @!p0 $0x100000, s0  }
0x88: {  	[sflag:s0] =	ssyncadd.tile.s32 @!p0 $0x1;
	_ =	shalt  }
.Lfunc_end2:
_tile_overlayer_lowered:
.L_overlay_start_2:
0x89: {  	(tag) =	ssettag $0x2  }
0x8a: {  	s0 =	rddreg [dreg:$0x0];
	s2 =	stileid.u32  }
0x8b: {  	s1 =	rddreg [dreg:$0x1];
	p0 =	sne.s32 s2, $0x0  }
0x8c: {  	s3 =	rddreg [dreg:$0x2];
	[bflag:$0x3] =	sbarrier.arrive $0xFFFF;
	s2 =	simm.s32 @!p0 $0x1C02  }
0x8d: {  	[timem:s3], [sflag:s2] =	dma.local @!p0 [hbm:s0], s1  }
0x8e: {  	s0 =	simm.s32 @!p0 $0x2  }
0x8f: {  	_ =	swait.ge @!p0 [sflag:s0], s1  }
0x90: {  	s1 =	ssub.s32 @!p0 $0x0, s1;
	[sflag:s0] =	ssyncset.done @!p0 $0x0  }
0x91: {  	[sflag:s0] =	ssyncadd.s32 @!p0 s1  }
0x92: {  	[bflag:$0x3] =	sbarrier.arrive $0xFFFF  }
0x93: {  	_ =	shalt  }

</sc_bundles>
